<compile_context>
chip_gen: v7x
topology: tpu7x:2x2x1
jax: 0.10.2.dev20260603
libtpu: 0.0.44.dev20260713+nightly
codegen_flags: <defaults>
</compile_context>

<pallas_src>
import jax
import jax.numpy as jnp
from jax import lax
from jax.experimental import pallas as pl
from jax.experimental.pallas import tpu as pltpu
from jax.experimental.pallas import tpu_sc as plsc
from functools import partial

N_BINS = 32
EPS = 6.4 / 256
LOW = -3.2 - EPS / 2
HIGH = 3.2 - EPS / 2
WIDTH = HIGH - LOW

NUM_WORKERS = 32
ROWS_PER_WORKER = 3


def _bin_one(si, su, sv, base_w):
    iu = jnp.log(si / su)
    iv = jnp.log(si / sv)
    bu = jnp.floor((iu - LOW) / WIDTH * N_BINS).astype(jnp.int32)
    bv = jnp.floor((iv - LOW) / WIDTH * N_BINS).astype(jnp.int32)
    bu = jnp.where(iu == HIGH, N_BINS - 1, bu)
    bv = jnp.where(iv == HIGH, N_BINS - 1, bv)
    in_u = ((iu >= LOW) & (iu <= HIGH) & (bu >= 0) & (bu < N_BINS))
    in_v = ((iv >= LOW) & (iv <= HIGH) & (bv >= 0) & (bv < N_BINS))
    w = base_w * in_u.astype(jnp.float32) * in_v.astype(jnp.float32)
    idx = jnp.where(w > 0, bu * N_BINS + bv, 0)
    return idx, w


def _gather_bin_kernel(*refs):
    idx_ref, w_ref = refs[12], refs[13]
    rows = lax.broadcasted_iota(jnp.int32, (4 * 512, 4 * N_BINS), 0)
    cols = lax.broadcasted_iota(jnp.int32, (4 * 512, 4 * N_BINS), 1)
    sel = (rows == (cols // N_BINS) * 512 +
           (cols % N_BINS) * 16).astype(jnp.float32)

    p = []
    for c in range(3):
        xc = jnp.concatenate(
            [refs[4 * c + k][:, 0, 0, :] for k in range(4)], axis=1)
        p.append(lax.dot_general(xc, sel, (((1,), (0,)), ((), ())),
                                 preferred_element_type=jnp.float32,
                                 precision=lax.Precision.HIGHEST))
    p0, p1, p2 = p

    valid = ((p0 > 0) & (p1 > 0) & (p2 > 0)).astype(jnp.float32)
    iy = jnp.sqrt(p0 * p0 + p1 * p1 + p2 * p2)
    s0 = jnp.where(p0 > 0, p0, 1.0)
    s1 = jnp.where(p1 > 0, p1, 1.0)
    s2 = jnp.where(p2 > 0, p2, 1.0)
    base_w = iy * valid

    i0, w0 = _bin_one(s0, s2, s1, base_w)
    i1, w1 = _bin_one(s1, s2, s0, base_w)
    i2, w2 = _bin_one(s2, s1, s0, base_w)

    idx_ref[...] = jnp.concatenate([i0, i1, i2], axis=0)
    w_ref[...] = jnp.concatenate([w0, w1, w2], axis=0)


def _sc_scatter_body(idx_hbm, w_hbm, out_hbm, idx_v, w_v, hist_v):
    c = lax.axis_index("c")
    s = lax.axis_index("s")
    P2 = N_BINS * N_BINS

    @pl.when(s < 6)
    def _():
        base = (c * 6 + s) * 8
        pltpu.sync_copy(idx_hbm.at[pl.ds(base, 8), :], idx_v)
        pltpu.sync_copy(w_hbm.at[pl.ds(base, 8), :], w_v)

        zeros = jnp.zeros((16,), jnp.float32)

        row_vecs = [jnp.full((16,), j, jnp.int32) for j in range(8)]

        def zero_body(k, carry):
            for j in range(8):
                hist_v[j, pl.ds(k * 16, 16)] = zeros
            return carry

        lax.fori_loop(0, P2 // 16, zero_body, 0)

        def scatter_body(k, carry):
            for j in range(8):
                iv = idx_v[j, pl.ds(k * 16, 16)]
                wv = w_v[j, pl.ds(k * 16, 16)]
                plsc.addupdate_scatter(hist_v, [row_vecs[j], iv], wv)
            return carry

        lax.fori_loop(0, P2 // 16, scatter_body, 0)

        pltpu.sync_copy(hist_v, out_hbm.at[pl.ds(base, 8), :])


def _norm_mlp_kernel(h_ref, w1_ref, b1_ref, w2_ref, b2_ref, w3_ref, b3_ref,
                     out_ref):
    P2 = N_BINS * N_BINS
    h1 = None
    for c in range(3):
        hc = h_ref[c * 32:(c + 1) * 32, :]
        norm = jnp.sum(hc, axis=1, keepdims=True)
        hn = jnp.sqrt(hc / norm)
        part = lax.dot_general(hn, w1_ref[:, c * P2:(c + 1) * P2],
                               (((1,), (1,)), ((), ())),
                               preferred_element_type=jnp.float32)
        h1 = part if h1 is None else h1 + part
    h1 = jnp.maximum(h1 + b1_ref[...][None, :], 0.0)
    h2 = lax.dot_general(h1, w2_ref[...], (((1,), (1,)), ((), ())),
                         preferred_element_type=jnp.float32)
    h2 = jnp.maximum(h2 + b2_ref[...][None, :], 0.0)
    h3 = lax.dot_general(h2, w3_ref[...], (((1,), (1,)), ((), ())),
                         preferred_element_type=jnp.float32)
    out_ref[...] = jnp.maximum(h3 + b3_ref[...][None, :], 0.0)


@jax.jit
def kernel(inp_img, W1, b1, W2, b2, W3, b3):
    B, C, H, W = inp_img.shape
    BC = B * C
    stride = H // N_BINS

    P2 = N_BINS * N_BINS
    in_specs = [
        pl.BlockSpec((B, 1, 8, W),
                     lambda i, c=c, k=k: (0, c, 2 * (4 * i + k), 0))
        for c in range(3) for k in range(4)
    ]
    idx96, w96 = pl.pallas_call(
        _gather_bin_kernel,
        grid=(8,),
        in_specs=in_specs,
        out_specs=[
            pl.BlockSpec((BC, 4 * N_BINS), lambda i: (0, i)),
            pl.BlockSpec((BC, 4 * N_BINS), lambda i: (0, i)),
        ],
        out_shape=[
            jax.ShapeDtypeStruct((BC, P2), jnp.int32),
            jax.ShapeDtypeStruct((BC, P2), jnp.float32),
        ],
    )(*([inp_img] * 12))

    sc_scatter = pl.kernel(
        _sc_scatter_body,
        out_type=jax.ShapeDtypeStruct((BC, P2), jnp.float32),
        scratch_types=[
            pltpu.VMEM((8, P2), jnp.int32),
            pltpu.VMEM((8, P2), jnp.float32),
            pltpu.VMEM((8, P2), jnp.float32),
        ],
        mesh=plsc.VectorSubcoreMesh(core_axis_name="c", subcore_axis_name="s"),
        compiler_params=pltpu.CompilerParams(needs_layout_passes=False),
    )
    hist96 = sc_scatter(idx96, w96)

    out = pl.pallas_call(
        _norm_mlp_kernel,
        out_shape=jax.ShapeDtypeStruct((B, W3.shape[0]), jnp.float32),
        compiler_params=pltpu.CompilerParams(
            vmem_limit_bytes=100 * 1024 * 1024,
        ),
    )(hist96, W1, b1, W2, b2, W3, b3)
    return out[:, :, None, None]

# --- scband reference (transcript-rebuilt; emitter-appended) ---
"""Pipeline reference for scband-simplified-ifebranch-31860067401864 (READ-ONLY COPY).

The authoritative reference and input builder live on the scoring server;
editing this copy changes nothing except your own understanding.
"""

import jax, jax.numpy as jnp
import numpy as np

N_BINS = 32
EPS = 6.4 / 256
LOW = -3.2 - EPS / 2
HIGH = 3.2 - EPS / 2


def _rgb_uv_hist(inp_img):
    B, C, H, W = inp_img.shape
    # cv2 INTER_NEAREST resize to (N_BINS, N_BINS): src index = floor(dst * scale)
    rows = jnp.floor(jnp.arange(N_BINS) * (H / N_BINS)).astype(jnp.int32)
    cols = jnp.floor(jnp.arange(N_BINS) * (W / N_BINS)).astype(jnp.int32)
    small = inp_img[:, :, rows, :][:, :, :, cols]  # [B,3,nb,nb]
    P = N_BINS * N_BINS
    pix = small.reshape(B, 3, P).transpose(0, 2, 1)  # [B,P,3]
    valid = jnp.all(pix > 0, axis=2).astype(jnp.float32)  # pixels with all channels > 0
    Iy = jnp.sqrt(jnp.sum(pix * pix, axis=2))  # L2 norm per pixel
    safe = jnp.where(pix > 0, pix, 1.0)  # avoid log of nonpositive; weight zeroed anyway
    width = HIGH - LOW
    batch_off = jnp.arange(B)[:, None] * P
    hists = []
    for i in range(3):
        r = [j for j in range(3) if j != i]
        Iu = jnp.log(safe[:, :, i] / safe[:, :, r[1]])
        Iv = jnp.log(safe[:, :, i] / safe[:, :, r[0]])
        bu = jnp.floor((Iu - LOW) / width * N_BINS).astype(jnp.int32)
        bv = jnp.floor((Iv - LOW) / width * N_BINS).astype(jnp.int32)
        bu = jnp.where(Iu == HIGH, N_BINS - 1, bu)
        bv = jnp.where(Iv == HIGH, N_BINS - 1, bv)
        in_u = ((Iu >= LOW) & (Iu <= HIGH) & (bu >= 0) & (bu < N_BINS)).astype(jnp.float32)
        in_v = ((Iv >= LOW) & (Iv <= HIGH) & (bv >= 0) & (bv < N_BINS)).astype(jnp.float32)
        w = Iy * valid * in_u * in_v
        mask = (w > 0)
        idx = batch_off + bu * N_BINS + bv
        idx = jnp.where(mask, idx, 0)
        flat = jnp.zeros(B * P, dtype=jnp.float32).at[idx.reshape(-1)].add(w.reshape(-1))
        h2d = flat.reshape(B, N_BINS, N_BINS)
        norm = jnp.sum(h2d, axis=(1, 2), keepdims=True)
        hists.append(jnp.sqrt(h2d / norm))
    hist = jnp.stack(hists, axis=1)  # [B,3,nb,nb]
    return hist.reshape(B, -1)  # [B,3072]


def setup_inputs(seed: int = 0) -> dict:
    key = jax.random.key(seed)
    ks = jax.random.split(key, 7)
    B, H, W = 32, 512, 512
    inp_img = jax.random.uniform(ks[0], (B, 3, H, W), dtype=jnp.float32)
    W1 = jax.random.normal(ks[1], (1024, 3072), dtype=jnp.float32) * 0.02
    b1 = jax.random.normal(ks[2], (1024,), dtype=jnp.float32) * 0.02
    W2 = jax.random.normal(ks[3], (512, 1024), dtype=jnp.float32) * 0.02
    b2 = jax.random.normal(ks[4], (512,), dtype=jnp.float32) * 0.02
    W3 = jax.random.normal(ks[5], (256, 512), dtype=jnp.float32) * 0.02
    b3 = jax.random.normal(ks[6], (256,), dtype=jnp.float32) * 0.02
    return {"inp_img": inp_img, "W1": W1, "b1": b1, "W2": W2, "b2": b2, "W3": W3, "b3": b3}


def reference(inp_img, W1, b1, W2, b2, W3, b3):
    hist = jax.lax.stop_gradient(_rgb_uv_hist(inp_img))  # torch code detaches hist
    h = jax.nn.relu(hist @ W1.T + b1)
    h = jax.nn.relu(h @ W2.T + b2)
    h = jax.nn.relu(h @ W3.T + b3)
    return h[..., None, None]  # [B,256,1,1]

if __name__ == "__main__":
    import jax
    _d = setup_inputs()
    print(jax.jit(kernel)(*tuple(_d.values())))

</pallas_src>

<mosaic_0001>
#map = affine_map<(d0, d1) -> (0, 0)>
module attributes {stable_mosaic.version = 14 : i64} {
  func.func @_sc_scatter_body(%arg0: i32, %arg1: i32, %arg2: memref<96x1024xi32, #tpu.memory_space<hbm>>, %arg3: memref<96x1024xf32, #tpu.memory_space<hbm>>, %arg4: memref<96x1024xf32, #tpu.memory_space<hbm>>, %arg5: memref<8x1024xi32, #tpu.memory_space<vmem>>, %arg6: memref<8x1024xf32, #tpu.memory_space<vmem>>, %arg7: memref<8x1024xf32, #tpu.memory_space<vmem>>) attributes {dimension_semantics = [#tpu.dimension_semantics<core_parallel>, #tpu.dimension_semantics<subcore_parallel>], iteration_bounds = array<i64: 2, 16>, scalar_prefetch = 0 : i64, scratch_operands = 3 : i64, tpu.core_type = #tpu.core_type<sc_vector_subcore>, window_params = [{transform_indices = #map}, {transform_indices = #map}, {transform_indices = #map}]} {
    %lt3A = arith.constant 6 : i32
    %lt3A_0 = arith.cmpi slt, %arg1, %lt3A : i32
    %convert_element_type3A = arith.extui %lt3A_0 : i1 to i32
    %cond3A = arith.constant 0 : i32
    %cond3A_1 = arith.cmpi ne, %convert_element_type3A, %cond3A : i32
    scf.if %cond3A_1 {
      %mul3A = arith.constant 6 : i32
      %mul3A_2 = arith.muli %arg0, %mul3A : i32
      %add3A = arith.addi %mul3A_2, %arg1 : i32
      %mul3A_3 = arith.constant 8 : i32
      %mul3A_4 = arith.muli %add3A, %mul3A_3 : i32
      "tpu.region"() ({
        %run_scoped3A = tpu.sem_alloc : memref<!tpu.dma_semaphore, #tpu.memory_space<semaphore_mem>>
        %dma_start3A = arith.constant 0 : i32
        %dma_start3A_33 = tpu.memref_slice %arg2[%mul3A_4, %dma_start3A] : memref<96x1024xi32, #tpu.memory_space<hbm>> -> memref<8x1024xi32, #tpu.memory_space<hbm>>
        %dma_start3A_34 = arith.constant 0 : i32
        %dma_start3A_35 = tpu.memref_slice %arg2[%mul3A_4, %dma_start3A_34] : memref<96x1024xi32, #tpu.memory_space<hbm>> -> memref<8x1024xi32, #tpu.memory_space<hbm>>
        tpu.enqueue_dma source(%dma_start3A_35 : memref<8x1024xi32, #tpu.memory_space<hbm>>) target(%arg5 : memref<8x1024xi32, #tpu.memory_space<vmem>>) target_semaphore(%run_scoped3A : memref<!tpu.dma_semaphore, #tpu.memory_space<semaphore_mem>>)
        %dma_wait3A = arith.constant 0 : i32
        %dma_wait3A_36 = tpu.memref_slice %arg2[%mul3A_4, %dma_wait3A] : memref<96x1024xi32, #tpu.memory_space<hbm>> -> memref<8x1024xi32, #tpu.memory_space<hbm>>
        %dma_wait3A_37 = arith.constant 0 : i32
        %dma_wait3A_38 = tpu.memref_slice %arg2[%mul3A_4, %dma_wait3A_37] : memref<96x1024xi32, #tpu.memory_space<hbm>> -> memref<8x1024xi32, #tpu.memory_space<hbm>>
        tpu.wait_dma2 semaphore(%run_scoped3A : memref<!tpu.dma_semaphore, #tpu.memory_space<semaphore_mem>>) src(%dma_wait3A_38 : memref<8x1024xi32, #tpu.memory_space<hbm>>) dst(%arg5 : memref<8x1024xi32, #tpu.memory_space<vmem>>)
        tpu.yield
      }) : () -> ()
      "tpu.region"() ({
        %run_scoped3A = tpu.sem_alloc : memref<!tpu.dma_semaphore, #tpu.memory_space<semaphore_mem>>
        %dma_start3A = arith.constant 0 : i32
        %dma_start3A_33 = tpu.memref_slice %arg3[%mul3A_4, %dma_start3A] : memref<96x1024xf32, #tpu.memory_space<hbm>> -> memref<8x1024xf32, #tpu.memory_space<hbm>>
        %dma_start3A_34 = arith.constant 0 : i32
        %dma_start3A_35 = tpu.memref_slice %arg3[%mul3A_4, %dma_start3A_34] : memref<96x1024xf32, #tpu.memory_space<hbm>> -> memref<8x1024xf32, #tpu.memory_space<hbm>>
        tpu.enqueue_dma source(%dma_start3A_35 : memref<8x1024xf32, #tpu.memory_space<hbm>>) target(%arg6 : memref<8x1024xf32, #tpu.memory_space<vmem>>) target_semaphore(%run_scoped3A : memref<!tpu.dma_semaphore, #tpu.memory_space<semaphore_mem>>)
        %dma_wait3A = arith.constant 0 : i32
        %dma_wait3A_36 = tpu.memref_slice %arg3[%mul3A_4, %dma_wait3A] : memref<96x1024xf32, #tpu.memory_space<hbm>> -> memref<8x1024xf32, #tpu.memory_space<hbm>>
        %dma_wait3A_37 = arith.constant 0 : i32
        %dma_wait3A_38 = tpu.memref_slice %arg3[%mul3A_4, %dma_wait3A_37] : memref<96x1024xf32, #tpu.memory_space<hbm>> -> memref<8x1024xf32, #tpu.memory_space<hbm>>
        tpu.wait_dma2 semaphore(%run_scoped3A : memref<!tpu.dma_semaphore, #tpu.memory_space<semaphore_mem>>) src(%dma_wait3A_38 : memref<8x1024xf32, #tpu.memory_space<hbm>>) dst(%arg6 : memref<8x1024xf32, #tpu.memory_space<vmem>>)
        tpu.yield
      }) : () -> ()
      %broadcast_in_dim3A = arith.constant 0.000000e+00 : f32
      %broadcast_in_dim3A_5 = vector.broadcast %broadcast_in_dim3A : f32 to vector<16xf32>
      %broadcast_in_dim3A_6 = arith.constant 0 : i32
      %broadcast_in_dim3A_7 = vector.broadcast %broadcast_in_dim3A_6 : i32 to vector<16xi32>
      %broadcast_in_dim3A_8 = arith.constant 1 : i32
      %broadcast_in_dim3A_9 = vector.broadcast %broadcast_in_dim3A_8 : i32 to vector<16xi32>
      %broadcast_in_dim3A_10 = arith.constant 2 : i32
      %broadcast_in_dim3A_11 = vector.broadcast %broadcast_in_dim3A_10 : i32 to vector<16xi32>
      %broadcast_in_dim3A_12 = arith.constant 3 : i32
      %broadcast_in_dim3A_13 = vector.broadcast %broadcast_in_dim3A_12 : i32 to vector<16xi32>
      %broadcast_in_dim3A_14 = arith.constant 4 : i32
      %broadcast_in_dim3A_15 = vector.broadcast %broadcast_in_dim3A_14 : i32 to vector<16xi32>
      %broadcast_in_dim3A_16 = arith.constant 5 : i32
      %broadcast_in_dim3A_17 = vector.broadcast %broadcast_in_dim3A_16 : i32 to vector<16xi32>
      %broadcast_in_dim3A_18 = arith.constant 6 : i32
      %broadcast_in_dim3A_19 = vector.broadcast %broadcast_in_dim3A_18 : i32 to vector<16xi32>
      %broadcast_in_dim3A_20 = arith.constant 7 : i32
      %broadcast_in_dim3A_21 = vector.broadcast %broadcast_in_dim3A_20 : i32 to vector<16xi32>
      %scan3A = arith.constant 0 : i32
      %scan3A_22 = arith.constant 0 : i32
      %scan3A_23 = arith.constant 64 : i32
      %scan3A_24 = arith.addi %scan3A_22, %scan3A_23 : i32
      %scan3A_25 = arith.constant 1 : i32
      scf.for %scan3A_33 = %scan3A_22 to %scan3A_24 step %scan3A_25  : i32 {
        %mul3A_34 = arith.constant 16 : i32
        %mul3A_35 = arith.muli %scan3A_33, %mul3A_34 : i32
        %swap3A = arith.constant 0 : i32
        %swap3A_36 = arith.index_cast %swap3A : i32 to index
        %swap3A_37 = arith.index_cast %mul3A_35 : i32 to index
        %swap3A_38 = tpu.vector_load %arg7[%swap3A_36, %swap3A_37] {strides = array<i32>} : memref<8x1024xf32, #tpu.memory_space<vmem>>, vector<16xf32>,
        tpu.vector_store %arg7[%swap3A_36, %swap3A_37], %broadcast_in_dim3A_5 {strides = array<i32>} : memref<8x1024xf32, #tpu.memory_space<vmem>>, vector<16xf32>,
        %mul3A_39 = arith.constant 16 : i32
        %mul3A_40 = arith.muli %scan3A_33, %mul3A_39 : i32
        %swap3A_41 = arith.constant 1 : i32
        %swap3A_42 = arith.index_cast %swap3A_41 : i32 to index
        %swap3A_43 = arith.index_cast %mul3A_40 : i32 to index
        %swap3A_44 = tpu.vector_load %arg7[%swap3A_42, %swap3A_43] {strides = array<i32>} : memref<8x1024xf32, #tpu.memory_space<vmem>>, vector<16xf32>,
        tpu.vector_store %arg7[%swap3A_42, %swap3A_43], %broadcast_in_dim3A_5 {strides = array<i32>} : memref<8x1024xf32, #tpu.memory_space<vmem>>, vector<16xf32>,
        %mul3A_45 = arith.constant 16 : i32
        %mul3A_46 = arith.muli %scan3A_33, %mul3A_45 : i32
        %swap3A_47 = arith.constant 2 : i32
        %swap3A_48 = arith.index_cast %swap3A_47 : i32 to index
        %swap3A_49 = arith.index_cast %mul3A_46 : i32 to index
        %swap3A_50 = tpu.vector_load %arg7[%swap3A_48, %swap3A_49] {strides = array<i32>} : memref<8x1024xf32, #tpu.memory_space<vmem>>, vector<16xf32>,
        tpu.vector_store %arg7[%swap3A_48, %swap3A_49], %broadcast_in_dim3A_5 {strides = array<i32>} : memref<8x1024xf32, #tpu.memory_space<vmem>>, vector<16xf32>,
        %mul3A_51 = arith.constant 16 : i32
        %mul3A_52 = arith.muli %scan3A_33, %mul3A_51 : i32
        %swap3A_53 = arith.constant 3 : i32
        %swap3A_54 = arith.index_cast %swap3A_53 : i32 to index
        %swap3A_55 = arith.index_cast %mul3A_52 : i32 to index
        %swap3A_56 = tpu.vector_load %arg7[%swap3A_54, %swap3A_55] {strides = array<i32>} : memref<8x1024xf32, #tpu.memory_space<vmem>>, vector<16xf32>,
        tpu.vector_store %arg7[%swap3A_54, %swap3A_55], %broadcast_in_dim3A_5 {strides = array<i32>} : memref<8x1024xf32, #tpu.memory_space<vmem>>, vector<16xf32>,
        %mul3A_57 = arith.constant 16 : i32
        %mul3A_58 = arith.muli %scan3A_33, %mul3A_57 : i32
        %swap3A_59 = arith.constant 4 : i32
        %swap3A_60 = arith.index_cast %swap3A_59 : i32 to index
        %swap3A_61 = arith.index_cast %mul3A_58 : i32 to index
        %swap3A_62 = tpu.vector_load %arg7[%swap3A_60, %swap3A_61] {strides = array<i32>} : memref<8x1024xf32, #tpu.memory_space<vmem>>, vector<16xf32>,
        tpu.vector_store %arg7[%swap3A_60, %swap3A_61], %broadcast_in_dim3A_5 {strides = array<i32>} : memref<8x1024xf32, #tpu.memory_space<vmem>>, vector<16xf32>,
        %mul3A_63 = arith.constant 16 : i32
        %mul3A_64 = arith.muli %scan3A_33, %mul3A_63 : i32
        %swap3A_65 = arith.constant 5 : i32
        %swap3A_66 = arith.index_cast %swap3A_65 : i32 to index
        %swap3A_67 = arith.index_cast %mul3A_64 : i32 to index
        %swap3A_68 = tpu.vector_load %arg7[%swap3A_66, %swap3A_67] {strides = array<i32>} : memref<8x1024xf32, #tpu.memory_space<vmem>>, vector<16xf32>,
        tpu.vector_store %arg7[%swap3A_66, %swap3A_67], %broadcast_in_dim3A_5 {strides = array<i32>} : memref<8x1024xf32, #tpu.memory_space<vmem>>, vector<16xf32>,
        %mul3A_69 = arith.constant 16 : i32
        %mul3A_70 = arith.muli %scan3A_33, %mul3A_69 : i32
        %swap3A_71 = arith.constant 6 : i32
        %swap3A_72 = arith.index_cast %swap3A_71 : i32 to index
        %swap3A_73 = arith.index_cast %mul3A_70 : i32 to index
        %swap3A_74 = tpu.vector_load %arg7[%swap3A_72, %swap3A_73] {strides = array<i32>} : memref<8x1024xf32, #tpu.memory_space<vmem>>, vector<16xf32>,
        tpu.vector_store %arg7[%swap3A_72, %swap3A_73], %broadcast_in_dim3A_5 {strides = array<i32>} : memref<8x1024xf32, #tpu.memory_space<vmem>>, vector<16xf32>,
        %mul3A_75 = arith.constant 16 : i32
        %mul3A_76 = arith.muli %scan3A_33, %mul3A_75 : i32
        %swap3A_77 = arith.constant 7 : i32
        %swap3A_78 = arith.index_cast %swap3A_77 : i32 to index
        %swap3A_79 = arith.index_cast %mul3A_76 : i32 to index
        %swap3A_80 = tpu.vector_load %arg7[%swap3A_78, %swap3A_79] {strides = array<i32>} : memref<8x1024xf32, #tpu.memory_space<vmem>>, vector<16xf32>,
        tpu.vector_store %arg7[%swap3A_78, %swap3A_79], %broadcast_in_dim3A_5 {strides = array<i32>} : memref<8x1024xf32, #tpu.memory_space<vmem>>, vector<16xf32>,
      }
      %scan3A_26 = arith.constant 64 : i32
      %scan3A_27 = arith.constant 0 : i32
      %scan3A_28 = arith.constant 0 : i32
      %scan3A_29 = arith.constant 64 : i32
      %scan3A_30 = arith.addi %scan3A_28, %scan3A_29 : i32
      %scan3A_31 = arith.constant 1 : i32
      scf.for %scan3A_33 = %scan3A_28 to %scan3A_30 step %scan3A_31  : i32 {
        %mul3A_34 = arith.constant 16 : i32
        %mul3A_35 = arith.muli %scan3A_33, %mul3A_34 : i32
        %get3A = arith.constant 0 : i32
        %get3A_36 = arith.index_cast %get3A : i32 to index
        %get3A_37 = arith.index_cast %mul3A_35 : i32 to index
        %get3A_38 = tpu.vector_load %arg5[%get3A_36, %get3A_37] {strides = array<i32>} : memref<8x1024xi32, #tpu.memory_space<vmem>>, vector<16xi32>,
        %mul3A_39 = arith.constant 16 : i32
        %mul3A_40 = arith.muli %scan3A_33, %mul3A_39 : i32
        %get3A_41 = arith.constant 0 : i32
        %get3A_42 = arith.index_cast %get3A_41 : i32 to index
        %get3A_43 = arith.index_cast %mul3A_40 : i32 to index
        %get3A_44 = tpu.vector_load %arg6[%get3A_42, %get3A_43] {strides = array<i32>} : memref<8x1024xf32, #tpu.memory_space<vmem>>, vector<16xf32>,
        tpu.vector_store_idx %arg7[%broadcast_in_dim3A_7, %get3A_38], %get3A_44 {add = true} : memref<8x1024xf32, #tpu.memory_space<vmem>>[vector<16xi32>, vector<16xi32>], vector<16xf32>,
        %mul3A_45 = arith.constant 16 : i32
        %mul3A_46 = arith.muli %scan3A_33, %mul3A_45 : i32
        %get3A_47 = arith.constant 1 : i32
        %get3A_48 = arith.index_cast %get3A_47 : i32 to index
        %get3A_49 = arith.index_cast %mul3A_46 : i32 to index
        %get3A_50 = tpu.vector_load %arg5[%get3A_48, %get3A_49] {strides = array<i32>} : memref<8x1024xi32, #tpu.memory_space<vmem>>, vector<16xi32>,
        %mul3A_51 = arith.constant 16 : i32
        %mul3A_52 = arith.muli %scan3A_33, %mul3A_51 : i32
        %get3A_53 = arith.constant 1 : i32
        %get3A_54 = arith.index_cast %get3A_53 : i32 to index
        %get3A_55 = arith.index_cast %mul3A_52 : i32 to index
        %get3A_56 = tpu.vector_load %arg6[%get3A_54, %get3A_55] {strides = array<i32>} : memref<8x1024xf32, #tpu.memory_space<vmem>>, vector<16xf32>,
        tpu.vector_store_idx %arg7[%broadcast_in_dim3A_9, %get3A_50], %get3A_56 {add = true} : memref<8x1024xf32, #tpu.memory_space<vmem>>[vector<16xi32>, vector<16xi32>], vector<16xf32>,
        %mul3A_57 = arith.constant 16 : i32
        %mul3A_58 = arith.muli %scan3A_33, %mul3A_57 : i32
        %get3A_59 = arith.constant 2 : i32
        %get3A_60 = arith.index_cast %get3A_59 : i32 to index
        %get3A_61 = arith.index_cast %mul3A_58 : i32 to index
        %get3A_62 = tpu.vector_load %arg5[%get3A_60, %get3A_61] {strides = array<i32>} : memref<8x1024xi32, #tpu.memory_space<vmem>>, vector<16xi32>,
        %mul3A_63 = arith.constant 16 : i32
        %mul3A_64 = arith.muli %scan3A_33, %mul3A_63 : i32
        %get3A_65 = arith.constant 2 : i32
        %get3A_66 = arith.index_cast %get3A_65 : i32 to index
        %get3A_67 = arith.index_cast %mul3A_64 : i32 to index
        %get3A_68 = tpu.vector_load %arg6[%get3A_66, %get3A_67] {strides = array<i32>} : memref<8x1024xf32, #tpu.memory_space<vmem>>, vector<16xf32>,
        tpu.vector_store_idx %arg7[%broadcast_in_dim3A_11, %get3A_62], %get3A_68 {add = true} : memref<8x1024xf32, #tpu.memory_space<vmem>>[vector<16xi32>, vector<16xi32>], vector<16xf32>,
        %mul3A_69 = arith.constant 16 : i32
        %mul3A_70 = arith.muli %scan3A_33, %mul3A_69 : i32
        %get3A_71 = arith.constant 3 : i32
        %get3A_72 = arith.index_cast %get3A_71 : i32 to index
        %get3A_73 = arith.index_cast %mul3A_70 : i32 to index
        %get3A_74 = tpu.vector_load %arg5[%get3A_72, %get3A_73] {strides = array<i32>} : memref<8x1024xi32, #tpu.memory_space<vmem>>, vector<16xi32>,
        %mul3A_75 = arith.constant 16 : i32
        %mul3A_76 = arith.muli %scan3A_33, %mul3A_75 : i32
        %get3A_77 = arith.constant 3 : i32
        %get3A_78 = arith.index_cast %get3A_77 : i32 to index
        %get3A_79 = arith.index_cast %mul3A_76 : i32 to index
        %get3A_80 = tpu.vector_load %arg6[%get3A_78, %get3A_79] {strides = array<i32>} : memref<8x1024xf32, #tpu.memory_space<vmem>>, vector<16xf32>,
        tpu.vector_store_idx %arg7[%broadcast_in_dim3A_13, %get3A_74], %get3A_80 {add = true} : memref<8x1024xf32, #tpu.memory_space<vmem>>[vector<16xi32>, vector<16xi32>], vector<16xf32>,
        %mul3A_81 = arith.constant 16 : i32
        %mul3A_82 = arith.muli %scan3A_33, %mul3A_81 : i32
        %get3A_83 = arith.constant 4 : i32
        %get3A_84 = arith.index_cast %get3A_83 : i32 to index
        %get3A_85 = arith.index_cast %mul3A_82 : i32 to index
        %get3A_86 = tpu.vector_load %arg5[%get3A_84, %get3A_85] {strides = array<i32>} : memref<8x1024xi32, #tpu.memory_space<vmem>>, vector<16xi32>,
        %mul3A_87 = arith.constant 16 : i32
        %mul3A_88 = arith.muli %scan3A_33, %mul3A_87 : i32
        %get3A_89 = arith.constant 4 : i32
        %get3A_90 = arith.index_cast %get3A_89 : i32 to index
        %get3A_91 = arith.index_cast %mul3A_88 : i32 to index
        %get3A_92 = tpu.vector_load %arg6[%get3A_90, %get3A_91] {strides = array<i32>} : memref<8x1024xf32, #tpu.memory_space<vmem>>, vector<16xf32>,
        tpu.vector_store_idx %arg7[%broadcast_in_dim3A_15, %get3A_86], %get3A_92 {add = true} : memref<8x1024xf32, #tpu.memory_space<vmem>>[vector<16xi32>, vector<16xi32>], vector<16xf32>,
        %mul3A_93 = arith.constant 16 : i32
        %mul3A_94 = arith.muli %scan3A_33, %mul3A_93 : i32
        %get3A_95 = arith.constant 5 : i32
        %get3A_96 = arith.index_cast %get3A_95 : i32 to index
        %get3A_97 = arith.index_cast %mul3A_94 : i32 to index
        %get3A_98 = tpu.vector_load %arg5[%get3A_96, %get3A_97] {strides = array<i32>} : memref<8x1024xi32, #tpu.memory_space<vmem>>, vector<16xi32>,
        %mul3A_99 = arith.constant 16 : i32
        %mul3A_100 = arith.muli %scan3A_33, %mul3A_99 : i32
        %get3A_101 = arith.constant 5 : i32
        %get3A_102 = arith.index_cast %get3A_101 : i32 to index
        %get3A_103 = arith.index_cast %mul3A_100 : i32 to index
        %get3A_104 = tpu.vector_load %arg6[%get3A_102, %get3A_103] {strides = array<i32>} : memref<8x1024xf32, #tpu.memory_space<vmem>>, vector<16xf32>,
        tpu.vector_store_idx %arg7[%broadcast_in_dim3A_17, %get3A_98], %get3A_104 {add = true} : memref<8x1024xf32, #tpu.memory_space<vmem>>[vector<16xi32>, vector<16xi32>], vector<16xf32>,
        %mul3A_105 = arith.constant 16 : i32
        %mul3A_106 = arith.muli %scan3A_33, %mul3A_105 : i32
        %get3A_107 = arith.constant 6 : i32
        %get3A_108 = arith.index_cast %get3A_107 : i32 to index
        %get3A_109 = arith.index_cast %mul3A_106 : i32 to index
        %get3A_110 = tpu.vector_load %arg5[%get3A_108, %get3A_109] {strides = array<i32>} : memref<8x1024xi32, #tpu.memory_space<vmem>>, vector<16xi32>,
        %mul3A_111 = arith.constant 16 : i32
        %mul3A_112 = arith.muli %scan3A_33, %mul3A_111 : i32
        %get3A_113 = arith.constant 6 : i32
        %get3A_114 = arith.index_cast %get3A_113 : i32 to index
        %get3A_115 = arith.index_cast %mul3A_112 : i32 to index
        %get3A_116 = tpu.vector_load %arg6[%get3A_114, %get3A_115] {strides = array<i32>} : memref<8x1024xf32, #tpu.memory_space<vmem>>, vector<16xf32>,
        tpu.vector_store_idx %arg7[%broadcast_in_dim3A_19, %get3A_110], %get3A_116 {add = true} : memref<8x1024xf32, #tpu.memory_space<vmem>>[vector<16xi32>, vector<16xi32>], vector<16xf32>,
        %mul3A_117 = arith.constant 16 : i32
        %mul3A_118 = arith.muli %scan3A_33, %mul3A_117 : i32
        %get3A_119 = arith.constant 7 : i32
        %get3A_120 = arith.index_cast %get3A_119 : i32 to index
        %get3A_121 = arith.index_cast %mul3A_118 : i32 to index
        %get3A_122 = tpu.vector_load %arg5[%get3A_120, %get3A_121] {strides = array<i32>} : memref<8x1024xi32, #tpu.memory_space<vmem>>, vector<16xi32>,
        %mul3A_123 = arith.constant 16 : i32
        %mul3A_124 = arith.muli %scan3A_33, %mul3A_123 : i32
        %get3A_125 = arith.constant 7 : i32
        %get3A_126 = arith.index_cast %get3A_125 : i32 to index
        %get3A_127 = arith.index_cast %mul3A_124 : i32 to index
        %get3A_128 = tpu.vector_load %arg6[%get3A_126, %get3A_127] {strides = array<i32>} : memref<8x1024xf32, #tpu.memory_space<vmem>>, vector<16xf32>,
        tpu.vector_store_idx %arg7[%broadcast_in_dim3A_21, %get3A_122], %get3A_128 {add = true} : memref<8x1024xf32, #tpu.memory_space<vmem>>[vector<16xi32>, vector<16xi32>], vector<16xf32>,
      }
      %scan3A_32 = arith.constant 64 : i32
      "tpu.region"() ({
        %run_scoped3A = tpu.sem_alloc : memref<!tpu.dma_semaphore, #tpu.memory_space<semaphore_mem>>
        %dma_start3A = arith.constant 0 : i32
        %dma_start3A_33 = tpu.memref_slice %arg4[%mul3A_4, %dma_start3A] : memref<96x1024xf32, #tpu.memory_space<hbm>> -> memref<8x1024xf32, #tpu.memory_space<hbm>>
        %dma_start3A_34 = arith.constant 0 : i32
        %dma_start3A_35 = tpu.memref_slice %arg4[%mul3A_4, %dma_start3A_34] : memref<96x1024xf32, #tpu.memory_space<hbm>> -> memref<8x1024xf32, #tpu.memory_space<hbm>>
        tpu.enqueue_dma source(%arg7 : memref<8x1024xf32, #tpu.memory_space<vmem>>) target(%dma_start3A_35 : memref<8x1024xf32, #tpu.memory_space<hbm>>) target_semaphore(%run_scoped3A : memref<!tpu.dma_semaphore, #tpu.memory_space<semaphore_mem>>)
        %dma_wait3A = arith.constant 0 : i32
        %dma_wait3A_36 = tpu.memref_slice %arg4[%mul3A_4, %dma_wait3A] : memref<96x1024xf32, #tpu.memory_space<hbm>> -> memref<8x1024xf32, #tpu.memory_space<hbm>>
        %dma_wait3A_37 = arith.constant 0 : i32
        %dma_wait3A_38 = tpu.memref_slice %arg4[%mul3A_4, %dma_wait3A_37] : memref<96x1024xf32, #tpu.memory_space<hbm>> -> memref<8x1024xf32, #tpu.memory_space<hbm>>
        tpu.wait_dma2 semaphore(%run_scoped3A : memref<!tpu.dma_semaphore, #tpu.memory_space<semaphore_mem>>) src(%arg7 : memref<8x1024xf32, #tpu.memory_space<vmem>>) dst(%dma_wait3A_38 : memref<8x1024xf32, #tpu.memory_space<hbm>>)
        tpu.yield
      }) : () -> ()
    } else {
    }
    return
  }
}

module attributes {stable_mosaic.version = 14 : i64} {
  func.func @_norm_mlp_kernel(%arg0: memref<96x1024xf32, #tpu.memory_space<vmem>>, %arg1: memref<1024x3072xf32, #tpu.memory_space<vmem>>, %arg2: memref<1024xf32, #tpu.memory_space<vmem>>, %arg3: memref<512x1024xf32, #tpu.memory_space<vmem>>, %arg4: memref<512xf32, #tpu.memory_space<vmem>>, %arg5: memref<256x512xf32, #tpu.memory_space<vmem>>, %arg6: memref<256xf32, #tpu.memory_space<vmem>>, %arg7: memref<32x256xf32, #tpu.memory_space<vmem>>) attributes {dimension_semantics = [], scalar_prefetch = 0 : i64, scratch_operands = 0 : i64, tpu.core_type = #tpu.core_type<tc>} {
    %get3A = arith.constant 0 : index
    %get3A_0 = arith.constant 0 : index
    %get3A_1 = vector.load %arg0[%get3A, %get3A_0] : memref<96x1024xf32, #tpu.memory_space<vmem>>, vector<32x1024xf32>
    %reduce_sum3A = arith.constant dense<0.000000e+00> : vector<32xf32>
    %reduce_sum3A_2 = vector.multi_reduction <add>, %get3A_1, %reduce_sum3A [1] : vector<32x1024xf32> to vector<32xf32>
    %broadcast_in_dim3A = vector.shape_cast %reduce_sum3A_2 : vector<32xf32> to vector<32x1xf32>
    %div3A = vector.broadcast %broadcast_in_dim3A : vector<32x1xf32> to vector<32x1024xf32>
    %div3A_3 = arith.divf %get3A_1, %div3A : vector<32x1024xf32>
    %sqrt3A = math.sqrt %div3A_3 : vector<32x1024xf32>
    %get3A_4 = arith.constant 0 : index
    %get3A_5 = arith.constant 0 : index
    %get3A_6 = vector.load %arg1[%get3A_4, %get3A_5] : memref<1024x3072xf32, #tpu.memory_space<vmem>>, vector<1024x1024xf32>
    %dot_general3A = arith.constant dense<0.000000e+00> : vector<32x1024xf32>
    %dot_general3A_7 = tpu.matmul %sqrt3A, %get3A_6, %dot_general3A {dimension_numbers = #tpu.dot_dimension_numbers<[1], [1], [0], [0], [0, 0, 1, 0], [], []>, transpose_lhs_hint = false} : vector<32x1024xf32>, vector<1024x1024xf32>, vector<32x1024xf32> -> vector<32x1024xf32>
    %get3A_8 = arith.constant 32 : index
    %get3A_9 = arith.constant 0 : index
    %get3A_10 = vector.load %arg0[%get3A_8, %get3A_9] : memref<96x1024xf32, #tpu.memory_space<vmem>>, vector<32x1024xf32>
    %reduce_sum3A_11 = arith.constant dense<0.000000e+00> : vector<32xf32>
    %reduce_sum3A_12 = vector.multi_reduction <add>, %get3A_10, %reduce_sum3A_11 [1] : vector<32x1024xf32> to vector<32xf32>
    %broadcast_in_dim3A_13 = vector.shape_cast %reduce_sum3A_12 : vector<32xf32> to vector<32x1xf32>
    %div3A_14 = vector.broadcast %broadcast_in_dim3A_13 : vector<32x1xf32> to vector<32x1024xf32>
    %div3A_15 = arith.divf %get3A_10, %div3A_14 : vector<32x1024xf32>
    %sqrt3A_16 = math.sqrt %div3A_15 : vector<32x1024xf32>
    %get3A_17 = arith.constant 0 : index
    %get3A_18 = arith.constant 1024 : index
    %get3A_19 = vector.load %arg1[%get3A_17, %get3A_18] : memref<1024x3072xf32, #tpu.memory_space<vmem>>, vector<1024x1024xf32>
    %dot_general3A_20 = arith.constant dense<0.000000e+00> : vector<32x1024xf32>
    %dot_general3A_21 = tpu.matmul %sqrt3A_16, %get3A_19, %dot_general3A_20 {dimension_numbers = #tpu.dot_dimension_numbers<[1], [1], [0], [0], [0, 0, 1, 0], [], []>, transpose_lhs_hint = false} : vector<32x1024xf32>, vector<1024x1024xf32>, vector<32x1024xf32> -> vector<32x1024xf32>
    %add3A = arith.addf %dot_general3A_7, %dot_general3A_21 : vector<32x1024xf32>
    %get3A_22 = arith.constant 64 : index
    %get3A_23 = arith.constant 0 : index
    %get3A_24 = vector.load %arg0[%get3A_22, %get3A_23] : memref<96x1024xf32, #tpu.memory_space<vmem>>, vector<32x1024xf32>
    %reduce_sum3A_25 = arith.constant dense<0.000000e+00> : vector<32xf32>
    %reduce_sum3A_26 = vector.multi_reduction <add>, %get3A_24, %reduce_sum3A_25 [1] : vector<32x1024xf32> to vector<32xf32>
    %broadcast_in_dim3A_27 = vector.shape_cast %reduce_sum3A_26 : vector<32xf32> to vector<32x1xf32>
    %div3A_28 = vector.broadcast %broadcast_in_dim3A_27 : vector<32x1xf32> to vector<32x1024xf32>
    %div3A_29 = arith.divf %get3A_24, %div3A_28 : vector<32x1024xf32>
    %sqrt3A_30 = math.sqrt %div3A_29 : vector<32x1024xf32>
    %get3A_31 = arith.constant 0 : index
    %get3A_32 = arith.constant 2048 : index
    %get3A_33 = vector.load %arg1[%get3A_31, %get3A_32] : memref<1024x3072xf32, #tpu.memory_space<vmem>>, vector<1024x1024xf32>
    %dot_general3A_34 = arith.constant dense<0.000000e+00> : vector<32x1024xf32>
    %dot_general3A_35 = tpu.matmul %sqrt3A_30, %get3A_33, %dot_general3A_34 {dimension_numbers = #tpu.dot_dimension_numbers<[1], [1], [0], [0], [0, 0, 1, 0], [], []>, transpose_lhs_hint = false} : vector<32x1024xf32>, vector<1024x1024xf32>, vector<32x1024xf32> -> vector<32x1024xf32>
    %add3A_36 = arith.addf %add3A, %dot_general3A_35 : vector<32x1024xf32>
    %get3A_37 = arith.constant 0 : index
    %get3A_38 = vector.load %arg2[%get3A_37] : memref<1024xf32, #tpu.memory_space<vmem>>, vector<1024xf32>
    %broadcast_in_dim3A_39 = vector.shape_cast %get3A_38 : vector<1024xf32> to vector<1x1024xf32>
    %add3A_40 = vector.broadcast %broadcast_in_dim3A_39 : vector<1x1024xf32> to vector<32x1024xf32>
    %add3A_41 = arith.addf %add3A_36, %add3A_40 : vector<32x1024xf32>
    %max3A = arith.constant 0.000000e+00 : f32
    %max3A_42 = vector.broadcast %max3A : f32 to vector<32x1024xf32>
    %max3A_43 = arith.maximumf %add3A_41, %max3A_42 : vector<32x1024xf32>
    %get3A_44 = arith.constant 0 : index
    %get3A_45 = arith.constant 0 : index
    %get3A_46 = vector.load %arg3[%get3A_44, %get3A_45] : memref<512x1024xf32, #tpu.memory_space<vmem>>, vector<512x1024xf32>
    %dot_general3A_47 = arith.constant dense<0.000000e+00> : vector<32x512xf32>
    %dot_general3A_48 = tpu.matmul %max3A_43, %get3A_46, %dot_general3A_47 {dimension_numbers = #tpu.dot_dimension_numbers<[1], [1], [0], [0], [0, 0, 1, 0], [], []>, transpose_lhs_hint = false} : vector<32x1024xf32>, vector<512x1024xf32>, vector<32x512xf32> -> vector<32x512xf32>
    %get3A_49 = arith.constant 0 : index
    %get3A_50 = vector.load %arg4[%get3A_49] : memref<512xf32, #tpu.memory_space<vmem>>, vector<512xf32>
    %broadcast_in_dim3A_51 = vector.shape_cast %get3A_50 : vector<512xf32> to vector<1x512xf32>
    %add3A_52 = vector.broadcast %broadcast_in_dim3A_51 : vector<1x512xf32> to vector<32x512xf32>
    %add3A_53 = arith.addf %dot_general3A_48, %add3A_52 : vector<32x512xf32>
    %max3A_54 = arith.constant 0.000000e+00 : f32
    %max3A_55 = vector.broadcast %max3A_54 : f32 to vector<32x512xf32>
    %max3A_56 = arith.maximumf %add3A_53, %max3A_55 : vector<32x512xf32>
    %get3A_57 = arith.constant 0 : index
    %get3A_58 = arith.constant 0 : index
    %get3A_59 = vector.load %arg5[%get3A_57, %get3A_58] : memref<256x512xf32, #tpu.memory_space<vmem>>, vector<256x512xf32>
    %dot_general3A_60 = arith.constant dense<0.000000e+00> : vector<32x256xf32>
    %dot_general3A_61 = tpu.matmul %max3A_56, %get3A_59, %dot_general3A_60 {dimension_numbers = #tpu.dot_dimension_numbers<[1], [1], [0], [0], [0, 0, 1, 0], [], []>, transpose_lhs_hint = false} : vector<32x512xf32>, vector<256x512xf32>, vector<32x256xf32> -> vector<32x256xf32>
    %get3A_62 = arith.constant 0 : index
    %get3A_63 = vector.load %arg6[%get3A_62] : memref<256xf32, #tpu.memory_space<vmem>>, vector<256xf32>
    %broadcast_in_dim3A_64 = vector.shape_cast %get3A_63 : vector<256xf32> to vector<1x256xf32>
    %add3A_65 = vector.broadcast %broadcast_in_dim3A_64 : vector<1x256xf32> to vector<32x256xf32>
    %add3A_66 = arith.addf %dot_general3A_61, %add3A_65 : vector<32x256xf32>
    %max3A_67 = arith.constant 0.000000e+00 : f32
    %max3A_68 = vector.broadcast %max3A_67 : f32 to vector<32x256xf32>
    %max3A_69 = arith.maximumf %add3A_66, %max3A_68 : vector<32x256xf32>
    %swap3A = arith.constant 0 : index
    %swap3A_70 = arith.constant 0 : index
    %swap3A_71 = vector.load %arg7[%swap3A, %swap3A_70] : memref<32x256xf32, #tpu.memory_space<vmem>>, vector<32x256xf32>
    tpu.vector_store %arg7[%swap3A, %swap3A_70], %max3A_69 {strides = array<i32>} : memref<32x256xf32, #tpu.memory_space<vmem>>, vector<32x256xf32>,
    return
  }
}

module attributes {stable_mosaic.version = 14 : i64} {
  func.func @_gather_bin_kernel(%arg0: i32, %arg1: memref<32x1x8x512xf32, #tpu.memory_space<vmem>>, %arg2: memref<32x1x8x512xf32, #tpu.memory_space<vmem>>, %arg3: memref<32x1x8x512xf32, #tpu.memory_space<vmem>>, %arg4: memref<32x1x8x512xf32, #tpu.memory_space<vmem>>, %arg5: memref<32x1x8x512xf32, #tpu.memory_space<vmem>>, %arg6: memref<32x1x8x512xf32, #tpu.memory_space<vmem>>, %arg7: memref<32x1x8x512xf32, #tpu.memory_space<vmem>>, %arg8: memref<32x1x8x512xf32, #tpu.memory_space<vmem>>, %arg9: memref<32x1x8x512xf32, #tpu.memory_space<vmem>>, %arg10: memref<32x1x8x512xf32, #tpu.memory_space<vmem>>, %arg11: memref<32x1x8x512xf32, #tpu.memory_space<vmem>>, %arg12: memref<32x1x8x512xf32, #tpu.memory_space<vmem>>, %arg13: memref<96x128xi32, #tpu.memory_space<vmem>>, %arg14: memref<96x128xf32, #tpu.memory_space<vmem>>) attributes {dimension_semantics = [#tpu.dimension_semantics<arbitrary>], iteration_bounds = array<i64: 8>, scalar_prefetch = 0 : i64, scratch_operands = 0 : i64, tpu.core_type = #tpu.core_type<tc>, window_params = [{transform_indices = @transform_0, window_bounds = array<i64: 32, 1, 8, 512>}, {transform_indices = @transform_1, window_bounds = array<i64: 32, 1, 8, 512>}, {transform_indices = @transform_2, window_bounds = array<i64: 32, 1, 8, 512>}, {transform_indices = @transform_3, window_bounds = array<i64: 32, 1, 8, 512>}, {transform_indices = @transform_4, window_bounds = array<i64: 32, 1, 8, 512>}, {transform_indices = @transform_5, window_bounds = array<i64: 32, 1, 8, 512>}, {transform_indices = @transform_6, window_bounds = array<i64: 32, 1, 8, 512>}, {transform_indices = @transform_7, window_bounds = array<i64: 32, 1, 8, 512>}, {transform_indices = @transform_8, window_bounds = array<i64: 32, 1, 8, 512>}, {transform_indices = @transform_9, window_bounds = array<i64: 32, 1, 8, 512>}, {transform_indices = @transform_10, window_bounds = array<i64: 32, 1, 8, 512>}, {transform_indices = @transform_11, window_bounds = array<i64: 32, 1, 8, 512>}, {transform_indices = @transform_12, window_bounds = array<i64: 96, 128>}, {transform_indices = @transform_13, window_bounds = array<i64: 96, 128>}]} {
    %iota3A = tpu.iota {dimensions = array<i32: 0>} : vector<2048x128xi32>
    %iota3A_0 = tpu.iota {dimensions = array<i32: 1>} : vector<2048x128xi32>
    %jit3A = arith.constant 32 : i32
    %div3A = vector.broadcast %jit3A : i32 to vector<2048x128xi32>
    %div3A_1 = arith.divsi %iota3A_0, %div3A : vector<2048x128xi32>
    %sign3A = arith.constant 0 : i32
    %sign3A_2 = vector.broadcast %sign3A : i32 to vector<2048x128xi32>
    %sign3A_3 = arith.cmpi sgt, %iota3A_0, %sign3A_2 : vector<2048x128xi32>
    %sign3A_4 = arith.extui %sign3A_3 : vector<2048x128xi1> to vector<2048x128xi32>
    %sign3A_5 = arith.constant 0 : i32
    %sign3A_6 = vector.broadcast %sign3A_5 : i32 to vector<2048x128xi32>
    %sign3A_7 = arith.cmpi slt, %iota3A_0, %sign3A_6 : vector<2048x128xi32>
    %sign3A_8 = arith.extui %sign3A_7 : vector<2048x128xi1> to vector<2048x128xi32>
    %sign3A_9 = arith.subi %sign3A_4, %sign3A_8 : vector<2048x128xi32>
    %sign3A_10 = arith.constant 0 : i32
    %sign3A_11 = arith.cmpi sgt, %jit3A, %sign3A_10 : i32
    %sign3A_12 = arith.extui %sign3A_11 : i1 to i32
    %sign3A_13 = arith.constant 0 : i32
    %sign3A_14 = arith.cmpi slt, %jit3A, %sign3A_13 : i32
    %sign3A_15 = arith.extui %sign3A_14 : i1 to i32
    %sign3A_16 = arith.subi %sign3A_12, %sign3A_15 : i32
    %ne3A = vector.broadcast %sign3A_16 : i32 to vector<2048x128xi32>
    %ne3A_17 = arith.cmpi ne, %sign3A_9, %ne3A : vector<2048x128xi32>
    %rem3A = vector.broadcast %jit3A : i32 to vector<2048x128xi32>
    %rem3A_18 = arith.remsi %iota3A_0, %rem3A : vector<2048x128xi32>
    %ne3A_19 = arith.constant 0 : i32
    %ne3A_20 = vector.broadcast %ne3A_19 : i32 to vector<2048x128xi32>
    %ne3A_21 = arith.cmpi ne, %rem3A_18, %ne3A_20 : vector<2048x128xi32>
    %and3A = arith.andi %ne3A_17, %ne3A_21 : vector<2048x128xi1>
    %sub3A = arith.constant 1 : i32
    %sub3A_22 = vector.broadcast %sub3A : i32 to vector<2048x128xi32>
    %sub3A_23 = arith.subi %div3A_1, %sub3A_22 : vector<2048x128xi32>
    %select_n3A = arith.select %and3A, %sub3A_23, %div3A_1 : vector<2048x128xi1>, vector<2048x128xi32>
    %mul3A = arith.constant 512 : i32
    %mul3A_24 = vector.broadcast %mul3A : i32 to vector<2048x128xi32>
    %mul3A_25 = arith.muli %select_n3A, %mul3A_24 : vector<2048x128xi32>
    %jit3A_26 = arith.constant 32 : i32
    %eq3A = arith.constant 0 : i32
    %eq3A_27 = arith.cmpi eq, %jit3A_26, %eq3A : i32
    %jit3A_28 = arith.constant 1 : i32
    %select_n3A_29 = arith.select %eq3A_27, %jit3A_28, %jit3A_26 : i32
    %rem3A_30 = vector.broadcast %select_n3A_29 : i32 to vector<2048x128xi32>
    %rem3A_31 = arith.remsi %iota3A_0, %rem3A_30 : vector<2048x128xi32>
    %ne3A_32 = arith.constant 0 : i32
    %ne3A_33 = vector.broadcast %ne3A_32 : i32 to vector<2048x128xi32>
    %ne3A_34 = arith.cmpi ne, %rem3A_31, %ne3A_33 : vector<2048x128xi32>
    %lt3A = arith.constant 0 : i32
    %lt3A_35 = vector.broadcast %lt3A : i32 to vector<2048x128xi32>
    %lt3A_36 = arith.cmpi slt, %rem3A_31, %lt3A_35 : vector<2048x128xi32>
    %lt3A_37 = arith.constant 0 : i32
    %lt3A_38 = arith.cmpi slt, %select_n3A_29, %lt3A_37 : i32
    %ne3A_39 = vector.broadcast %lt3A_38 : i1 to vector<2048x128xi1>
    %ne3A_40 = vector.broadcast %ne3A_39 : vector<2048x128xi1> to vector<2048x128xi1>
    %ne3A_41 = arith.xori %lt3A_36, %ne3A_40 : vector<2048x128xi1>
    %and3A_42 = arith.andi %ne3A_41, %ne3A_34 : vector<2048x128xi1>
    %add3A = vector.broadcast %select_n3A_29 : i32 to vector<2048x128xi32>
    %add3A_43 = arith.addi %rem3A_31, %add3A : vector<2048x128xi32>
    %select_n3A_44 = arith.select %and3A_42, %add3A_43, %rem3A_31 : vector<2048x128xi1>, vector<2048x128xi32>
    %mul3A_45 = arith.constant 16 : i32
    %mul3A_46 = vector.broadcast %mul3A_45 : i32 to vector<2048x128xi32>
    %mul3A_47 = arith.muli %select_n3A_44, %mul3A_46 : vector<2048x128xi32>
    %add3A_48 = arith.addi %mul3A_25, %mul3A_47 : vector<2048x128xi32>
    %eq3A_49 = arith.cmpi eq, %iota3A, %add3A_48 : vector<2048x128xi32>
    %convert_element_type3A = arith.extui %eq3A_49 : vector<2048x128xi1> to vector<2048x128xi32>
    %convert_element_type3A_50 = arith.sitofp %convert_element_type3A : vector<2048x128xi32> to vector<2048x128xf32>
    %get3A = arith.constant 0 : index
    %get3A_51 = arith.constant 0 : index
    %get3A_52 = arith.constant 0 : index
    %get3A_53 = arith.constant 0 : index
    %get3A_54 = vector.load %arg1[%get3A, %get3A_51, %get3A_52, %get3A_53] : memref<32x1x8x512xf32, #tpu.memory_space<vmem>>, vector<32x1x1x512xf32>
    %get3A_55 = vector.shape_cast %get3A_54 : vector<32x1x1x512xf32> to vector<32x512xf32>
    %get3A_56 = arith.constant 0 : index
    %get3A_57 = arith.constant 0 : index
    %get3A_58 = arith.constant 0 : index
    %get3A_59 = arith.constant 0 : index
    %get3A_60 = vector.load %arg2[%get3A_56, %get3A_57, %get3A_58, %get3A_59] : memref<32x1x8x512xf32, #tpu.memory_space<vmem>>, vector<32x1x1x512xf32>
    %get3A_61 = vector.shape_cast %get3A_60 : vector<32x1x1x512xf32> to vector<32x512xf32>
    %get3A_62 = arith.constant 0 : index
    %get3A_63 = arith.constant 0 : index
    %get3A_64 = arith.constant 0 : index
    %get3A_65 = arith.constant 0 : index
    %get3A_66 = vector.load %arg3[%get3A_62, %get3A_63, %get3A_64, %get3A_65] : memref<32x1x8x512xf32, #tpu.memory_space<vmem>>, vector<32x1x1x512xf32>
    %get3A_67 = vector.shape_cast %get3A_66 : vector<32x1x1x512xf32> to vector<32x512xf32>
    %get3A_68 = arith.constant 0 : index
    %get3A_69 = arith.constant 0 : index
    %get3A_70 = arith.constant 0 : index
    %get3A_71 = arith.constant 0 : index
    %get3A_72 = vector.load %arg4[%get3A_68, %get3A_69, %get3A_70, %get3A_71] : memref<32x1x8x512xf32, #tpu.memory_space<vmem>>, vector<32x1x1x512xf32>
    %get3A_73 = vector.shape_cast %get3A_72 : vector<32x1x1x512xf32> to vector<32x512xf32>
    %concatenate3A = tpu.concatenate %get3A_55, %get3A_61, %get3A_67, %get3A_73 in 1 : vector<32x512xf32>, vector<32x512xf32>, vector<32x512xf32>, vector<32x512xf32> -> vector<32x2048xf32>
    %dot_general3A = arith.constant dense<0.000000e+00> : vector<32x128xf32>
    %dot_general3A_74 = tpu.matmul %concatenate3A, %convert_element_type3A_50, %dot_general3A {dimension_numbers = #tpu.dot_dimension_numbers<[1], [0], [0], [1], [0, 0, 1, 1], [], []>, precision = #tpu.contract_precision<fp32>, transpose_lhs_hint = false} : vector<32x2048xf32>, vector<2048x128xf32>, vector<32x128xf32> -> vector<32x128xf32>
    %get3A_75 = arith.constant 0 : index
    %get3A_76 = arith.constant 0 : index
    %get3A_77 = arith.constant 0 : index
    %get3A_78 = arith.constant 0 : index
    %get3A_79 = vector.load %arg5[%get3A_75, %get3A_76, %get3A_77, %get3A_78] : memref<32x1x8x512xf32, #tpu.memory_space<vmem>>, vector<32x1x1x512xf32>
    %get3A_80 = vector.shape_cast %get3A_79 : vector<32x1x1x512xf32> to vector<32x512xf32>
    %get3A_81 = arith.constant 0 : index
    %get3A_82 = arith.constant 0 : index
    %get3A_83 = arith.constant 0 : index
    %get3A_84 = arith.constant 0 : index
    %get3A_85 = vector.load %arg6[%get3A_81, %get3A_82, %get3A_83, %get3A_84] : memref<32x1x8x512xf32, #tpu.memory_space<vmem>>, vector<32x1x1x512xf32>
    %get3A_86 = vector.shape_cast %get3A_85 : vector<32x1x1x512xf32> to vector<32x512xf32>
    %get3A_87 = arith.constant 0 : index
    %get3A_88 = arith.constant 0 : index
    %get3A_89 = arith.constant 0 : index
    %get3A_90 = arith.constant 0 : index
    %get3A_91 = vector.load %arg7[%get3A_87, %get3A_88, %get3A_89, %get3A_90] : memref<32x1x8x512xf32, #tpu.memory_space<vmem>>, vector<32x1x1x512xf32>
    %get3A_92 = vector.shape_cast %get3A_91 : vector<32x1x1x512xf32> to vector<32x512xf32>
    %get3A_93 = arith.constant 0 : index
    %get3A_94 = arith.constant 0 : index
    %get3A_95 = arith.constant 0 : index
    %get3A_96 = arith.constant 0 : index
    %get3A_97 = vector.load %arg8[%get3A_93, %get3A_94, %get3A_95, %get3A_96] : memref<32x1x8x512xf32, #tpu.memory_space<vmem>>, vector<32x1x1x512xf32>
    %get3A_98 = vector.shape_cast %get3A_97 : vector<32x1x1x512xf32> to vector<32x512xf32>
    %concatenate3A_99 = tpu.concatenate %get3A_80, %get3A_86, %get3A_92, %get3A_98 in 1 : vector<32x512xf32>, vector<32x512xf32>, vector<32x512xf32>, vector<32x512xf32> -> vector<32x2048xf32>
    %dot_general3A_100 = arith.constant dense<0.000000e+00> : vector<32x128xf32>
    %dot_general3A_101 = tpu.matmul %concatenate3A_99, %convert_element_type3A_50, %dot_general3A_100 {dimension_numbers = #tpu.dot_dimension_numbers<[1], [0], [0], [1], [0, 0, 1, 1], [], []>, precision = #tpu.contract_precision<fp32>, transpose_lhs_hint = false} : vector<32x2048xf32>, vector<2048x128xf32>, vector<32x128xf32> -> vector<32x128xf32>
    %get3A_102 = arith.constant 0 : index
    %get3A_103 = arith.constant 0 : index
    %get3A_104 = arith.constant 0 : index
    %get3A_105 = arith.constant 0 : index
    %get3A_106 = vector.load %arg9[%get3A_102, %get3A_103, %get3A_104, %get3A_105] : memref<32x1x8x512xf32, #tpu.memory_space<vmem>>, vector<32x1x1x512xf32>
    %get3A_107 = vector.shape_cast %get3A_106 : vector<32x1x1x512xf32> to vector<32x512xf32>
    %get3A_108 = arith.constant 0 : index
    %get3A_109 = arith.constant 0 : index
    %get3A_110 = arith.constant 0 : index
    %get3A_111 = arith.constant 0 : index
    %get3A_112 = vector.load %arg10[%get3A_108, %get3A_109, %get3A_110, %get3A_111] : memref<32x1x8x512xf32, #tpu.memory_space<vmem>>, vector<32x1x1x512xf32>
    %get3A_113 = vector.shape_cast %get3A_112 : vector<32x1x1x512xf32> to vector<32x512xf32>
    %get3A_114 = arith.constant 0 : index
    %get3A_115 = arith.constant 0 : index
    %get3A_116 = arith.constant 0 : index
    %get3A_117 = arith.constant 0 : index
    %get3A_118 = vector.load %arg11[%get3A_114, %get3A_115, %get3A_116, %get3A_117] : memref<32x1x8x512xf32, #tpu.memory_space<vmem>>, vector<32x1x1x512xf32>
    %get3A_119 = vector.shape_cast %get3A_118 : vector<32x1x1x512xf32> to vector<32x512xf32>
    %get3A_120 = arith.constant 0 : index
    %get3A_121 = arith.constant 0 : index
    %get3A_122 = arith.constant 0 : index
    %get3A_123 = arith.constant 0 : index
    %get3A_124 = vector.load %arg12[%get3A_120, %get3A_121, %get3A_122, %get3A_123] : memref<32x1x8x512xf32, #tpu.memory_space<vmem>>, vector<32x1x1x512xf32>
    %get3A_125 = vector.shape_cast %get3A_124 : vector<32x1x1x512xf32> to vector<32x512xf32>
    %concatenate3A_126 = tpu.concatenate %get3A_107, %get3A_113, %get3A_119, %get3A_125 in 1 : vector<32x512xf32>, vector<32x512xf32>, vector<32x512xf32>, vector<32x512xf32> -> vector<32x2048xf32>
    %dot_general3A_127 = arith.constant dense<0.000000e+00> : vector<32x128xf32>
    %dot_general3A_128 = tpu.matmul %concatenate3A_126, %convert_element_type3A_50, %dot_general3A_127 {dimension_numbers = #tpu.dot_dimension_numbers<[1], [0], [0], [1], [0, 0, 1, 1], [], []>, precision = #tpu.contract_precision<fp32>, transpose_lhs_hint = false} : vector<32x2048xf32>, vector<2048x128xf32>, vector<32x128xf32> -> vector<32x128xf32>
    %gt3A = arith.constant 0.000000e+00 : f32
    %gt3A_129 = vector.broadcast %gt3A : f32 to vector<32x128xf32>
    %gt3A_130 = arith.cmpf ogt, %dot_general3A_74, %gt3A_129 : vector<32x128xf32>
    %gt3A_131 = arith.constant 0.000000e+00 : f32
    %gt3A_132 = vector.broadcast %gt3A_131 : f32 to vector<32x128xf32>
    %gt3A_133 = arith.cmpf ogt, %dot_general3A_101, %gt3A_132 : vector<32x128xf32>
    %and3A_134 = arith.andi %gt3A_130, %gt3A_133 : vector<32x128xi1>
    %gt3A_135 = arith.constant 0.000000e+00 : f32
    %gt3A_136 = vector.broadcast %gt3A_135 : f32 to vector<32x128xf32>
    %gt3A_137 = arith.cmpf ogt, %dot_general3A_128, %gt3A_136 : vector<32x128xf32>
    %and3A_138 = arith.andi %and3A_134, %gt3A_137 : vector<32x128xi1>
    %convert_element_type3A_139 = arith.extui %and3A_138 : vector<32x128xi1> to vector<32x128xi32>
    %convert_element_type3A_140 = arith.sitofp %convert_element_type3A_139 : vector<32x128xi32> to vector<32x128xf32>
    %mul3A_141 = arith.mulf %dot_general3A_74, %dot_general3A_74 : vector<32x128xf32>
    %mul3A_142 = arith.mulf %dot_general3A_101, %dot_general3A_101 : vector<32x128xf32>
    %add3A_143 = arith.addf %mul3A_141, %mul3A_142 : vector<32x128xf32>
    %mul3A_144 = arith.mulf %dot_general3A_128, %dot_general3A_128 : vector<32x128xf32>
    %add3A_145 = arith.addf %add3A_143, %mul3A_144 : vector<32x128xf32>
    %sqrt3A = math.sqrt %add3A_145 : vector<32x128xf32>
    %gt3A_146 = arith.constant 0.000000e+00 : f32
    %gt3A_147 = vector.broadcast %gt3A_146 : f32 to vector<32x128xf32>
    %gt3A_148 = arith.cmpf ogt, %dot_general3A_74, %gt3A_147 : vector<32x128xf32>
    %jit3A_149 = arith.constant 1.000000e+00 : f32
    %broadcast_in_dim3A = vector.broadcast %jit3A_149 : f32 to vector<32x128xf32>
    %select_n3A_150 = arith.select %gt3A_148, %dot_general3A_74, %broadcast_in_dim3A : vector<32x128xi1>, vector<32x128xf32>
    %gt3A_151 = arith.constant 0.000000e+00 : f32
    %gt3A_152 = vector.broadcast %gt3A_151 : f32 to vector<32x128xf32>
    %gt3A_153 = arith.cmpf ogt, %dot_general3A_101, %gt3A_152 : vector<32x128xf32>
    %jit3A_154 = arith.constant 1.000000e+00 : f32
    %broadcast_in_dim3A_155 = vector.broadcast %jit3A_154 : f32 to vector<32x128xf32>
    %select_n3A_156 = arith.select %gt3A_153, %dot_general3A_101, %broadcast_in_dim3A_155 : vector<32x128xi1>, vector<32x128xf32>
    %gt3A_157 = arith.constant 0.000000e+00 : f32
    %gt3A_158 = vector.broadcast %gt3A_157 : f32 to vector<32x128xf32>
    %gt3A_159 = arith.cmpf ogt, %dot_general3A_128, %gt3A_158 : vector<32x128xf32>
    %jit3A_160 = arith.constant 1.000000e+00 : f32
    %broadcast_in_dim3A_161 = vector.broadcast %jit3A_160 : f32 to vector<32x128xf32>
    %select_n3A_162 = arith.select %gt3A_159, %dot_general3A_128, %broadcast_in_dim3A_161 : vector<32x128xi1>, vector<32x128xf32>
    %mul3A_163 = arith.mulf %sqrt3A, %convert_element_type3A_140 : vector<32x128xf32>
    %div3A_164 = arith.divf %select_n3A_150, %select_n3A_162 : vector<32x128xf32>
    %log3A = math.log %div3A_164 : vector<32x128xf32>
    %div3A_165 = arith.divf %select_n3A_150, %select_n3A_156 : vector<32x128xf32>
    %log3A_166 = math.log %div3A_165 : vector<32x128xf32>
    %sub3A_167 = arith.constant -3.212500e+00 : f32
    %sub3A_168 = vector.broadcast %sub3A_167 : f32 to vector<32x128xf32>
    %sub3A_169 = arith.subf %log3A, %sub3A_168 : vector<32x128xf32>
    %div3A_170 = arith.constant 6.400000e+00 : f32
    %div3A_171 = vector.broadcast %div3A_170 : f32 to vector<32x128xf32>
    %div3A_172 = arith.divf %sub3A_169, %div3A_171 : vector<32x128xf32>
    %mul3A_173 = arith.constant 3.200000e+01 : f32
    %mul3A_174 = vector.broadcast %mul3A_173 : f32 to vector<32x128xf32>
    %mul3A_175 = arith.mulf %div3A_172, %mul3A_174 : vector<32x128xf32>
    %floor3A = math.floor %mul3A_175 : vector<32x128xf32>
    %convert_element_type3A_176 = arith.fptosi %floor3A : vector<32x128xf32> to vector<32x128xi32>
    %sub3A_177 = arith.constant -3.212500e+00 : f32
    %sub3A_178 = vector.broadcast %sub3A_177 : f32 to vector<32x128xf32>
    %sub3A_179 = arith.subf %log3A_166, %sub3A_178 : vector<32x128xf32>
    %div3A_180 = arith.constant 6.400000e+00 : f32
    %div3A_181 = vector.broadcast %div3A_180 : f32 to vector<32x128xf32>
    %div3A_182 = arith.divf %sub3A_179, %div3A_181 : vector<32x128xf32>
    %mul3A_183 = arith.constant 3.200000e+01 : f32
    %mul3A_184 = vector.broadcast %mul3A_183 : f32 to vector<32x128xf32>
    %mul3A_185 = arith.mulf %div3A_182, %mul3A_184 : vector<32x128xf32>
    %floor3A_186 = math.floor %mul3A_185 : vector<32x128xf32>
    %convert_element_type3A_187 = arith.fptosi %floor3A_186 : vector<32x128xf32> to vector<32x128xi32>
    %eq3A_188 = arith.constant 3.187500e+00 : f32
    %eq3A_189 = vector.broadcast %eq3A_188 : f32 to vector<32x128xf32>
    %eq3A_190 = arith.cmpf oeq, %log3A, %eq3A_189 : vector<32x128xf32>
    %jit3A_191 = arith.constant 31 : i32
    %broadcast_in_dim3A_192 = vector.broadcast %jit3A_191 : i32 to vector<32x128xi32>
    %select_n3A_193 = arith.select %eq3A_190, %broadcast_in_dim3A_192, %convert_element_type3A_176 : vector<32x128xi1>, vector<32x128xi32>
    %eq3A_194 = arith.constant 3.187500e+00 : f32
    %eq3A_195 = vector.broadcast %eq3A_194 : f32 to vector<32x128xf32>
    %eq3A_196 = arith.cmpf oeq, %log3A_166, %eq3A_195 : vector<32x128xf32>
    %jit3A_197 = arith.constant 31 : i32
    %broadcast_in_dim3A_198 = vector.broadcast %jit3A_197 : i32 to vector<32x128xi32>
    %select_n3A_199 = arith.select %eq3A_196, %broadcast_in_dim3A_198, %convert_element_type3A_187 : vector<32x128xi1>, vector<32x128xi32>
    %ge3A = arith.constant -3.212500e+00 : f32
    %ge3A_200 = vector.broadcast %ge3A : f32 to vector<32x128xf32>
    %ge3A_201 = arith.cmpf oge, %log3A, %ge3A_200 : vector<32x128xf32>
    %le3A = arith.constant 3.187500e+00 : f32
    %le3A_202 = vector.broadcast %le3A : f32 to vector<32x128xf32>
    %le3A_203 = arith.cmpf ole, %log3A, %le3A_202 : vector<32x128xf32>
    %and3A_204 = arith.andi %ge3A_201, %le3A_203 : vector<32x128xi1>
    %ge3A_205 = arith.constant 0 : i32
    %ge3A_206 = vector.broadcast %ge3A_205 : i32 to vector<32x128xi32>
    %ge3A_207 = arith.cmpi sge, %select_n3A_193, %ge3A_206 : vector<32x128xi32>
    %and3A_208 = arith.andi %and3A_204, %ge3A_207 : vector<32x128xi1>
    %lt3A_209 = arith.constant 32 : i32
    %lt3A_210 = vector.broadcast %lt3A_209 : i32 to vector<32x128xi32>
    %lt3A_211 = arith.cmpi slt, %select_n3A_193, %lt3A_210 : vector<32x128xi32>
    %and3A_212 = arith.andi %and3A_208, %lt3A_211 : vector<32x128xi1>
    %ge3A_213 = arith.constant -3.212500e+00 : f32
    %ge3A_214 = vector.broadcast %ge3A_213 : f32 to vector<32x128xf32>
    %ge3A_215 = arith.cmpf oge, %log3A_166, %ge3A_214 : vector<32x128xf32>
    %le3A_216 = arith.constant 3.187500e+00 : f32
    %le3A_217 = vector.broadcast %le3A_216 : f32 to vector<32x128xf32>
    %le3A_218 = arith.cmpf ole, %log3A_166, %le3A_217 : vector<32x128xf32>
    %and3A_219 = arith.andi %ge3A_215, %le3A_218 : vector<32x128xi1>
    %ge3A_220 = arith.constant 0 : i32
    %ge3A_221 = vector.broadcast %ge3A_220 : i32 to vector<32x128xi32>
    %ge3A_222 = arith.cmpi sge, %select_n3A_199, %ge3A_221 : vector<32x128xi32>
    %and3A_223 = arith.andi %and3A_219, %ge3A_222 : vector<32x128xi1>
    %lt3A_224 = arith.constant 32 : i32
    %lt3A_225 = vector.broadcast %lt3A_224 : i32 to vector<32x128xi32>
    %lt3A_226 = arith.cmpi slt, %select_n3A_199, %lt3A_225 : vector<32x128xi32>
    %and3A_227 = arith.andi %and3A_223, %lt3A_226 : vector<32x128xi1>
    %convert_element_type3A_228 = arith.extui %and3A_212 : vector<32x128xi1> to vector<32x128xi32>
    %convert_element_type3A_229 = arith.sitofp %convert_element_type3A_228 : vector<32x128xi32> to vector<32x128xf32>
    %mul3A_230 = arith.mulf %mul3A_163, %convert_element_type3A_229 : vector<32x128xf32>
    %convert_element_type3A_231 = arith.extui %and3A_227 : vector<32x128xi1> to vector<32x128xi32>
    %convert_element_type3A_232 = arith.sitofp %convert_element_type3A_231 : vector<32x128xi32> to vector<32x128xf32>
    %mul3A_233 = arith.mulf %mul3A_230, %convert_element_type3A_232 : vector<32x128xf32>
    %gt3A_234 = arith.constant 0.000000e+00 : f32
    %gt3A_235 = vector.broadcast %gt3A_234 : f32 to vector<32x128xf32>
    %gt3A_236 = arith.cmpf ogt, %mul3A_233, %gt3A_235 : vector<32x128xf32>
    %mul3A_237 = arith.constant 32 : i32
    %mul3A_238 = vector.broadcast %mul3A_237 : i32 to vector<32x128xi32>
    %mul3A_239 = arith.muli %select_n3A_193, %mul3A_238 : vector<32x128xi32>
    %add3A_240 = arith.addi %mul3A_239, %select_n3A_199 : vector<32x128xi32>
    %jit3A_241 = arith.constant 0 : i32
    %broadcast_in_dim3A_242 = vector.broadcast %jit3A_241 : i32 to vector<32x128xi32>
    %select_n3A_243 = arith.select %gt3A_236, %add3A_240, %broadcast_in_dim3A_242 : vector<32x128xi1>, vector<32x128xi32>
    %div3A_244 = arith.divf %select_n3A_156, %select_n3A_162 : vector<32x128xf32>
    %log3A_245 = math.log %div3A_244 : vector<32x128xf32>
    %div3A_246 = arith.divf %select_n3A_156, %select_n3A_150 : vector<32x128xf32>
    %log3A_247 = math.log %div3A_246 : vector<32x128xf32>
    %sub3A_248 = arith.constant -3.212500e+00 : f32
    %sub3A_249 = vector.broadcast %sub3A_248 : f32 to vector<32x128xf32>
    %sub3A_250 = arith.subf %log3A_245, %sub3A_249 : vector<32x128xf32>
    %div3A_251 = arith.constant 6.400000e+00 : f32
    %div3A_252 = vector.broadcast %div3A_251 : f32 to vector<32x128xf32>
    %div3A_253 = arith.divf %sub3A_250, %div3A_252 : vector<32x128xf32>
    %mul3A_254 = arith.constant 3.200000e+01 : f32
    %mul3A_255 = vector.broadcast %mul3A_254 : f32 to vector<32x128xf32>
    %mul3A_256 = arith.mulf %div3A_253, %mul3A_255 : vector<32x128xf32>
    %floor3A_257 = math.floor %mul3A_256 : vector<32x128xf32>
    %convert_element_type3A_258 = arith.fptosi %floor3A_257 : vector<32x128xf32> to vector<32x128xi32>
    %sub3A_259 = arith.constant -3.212500e+00 : f32
    %sub3A_260 = vector.broadcast %sub3A_259 : f32 to vector<32x128xf32>
    %sub3A_261 = arith.subf %log3A_247, %sub3A_260 : vector<32x128xf32>
    %div3A_262 = arith.constant 6.400000e+00 : f32
    %div3A_263 = vector.broadcast %div3A_262 : f32 to vector<32x128xf32>
    %div3A_264 = arith.divf %sub3A_261, %div3A_263 : vector<32x128xf32>
    %mul3A_265 = arith.constant 3.200000e+01 : f32
    %mul3A_266 = vector.broadcast %mul3A_265 : f32 to vector<32x128xf32>
    %mul3A_267 = arith.mulf %div3A_264, %mul3A_266 : vector<32x128xf32>
    %floor3A_268 = math.floor %mul3A_267 : vector<32x128xf32>
    %convert_element_type3A_269 = arith.fptosi %floor3A_268 : vector<32x128xf32> to vector<32x128xi32>
    %eq3A_270 = arith.constant 3.187500e+00 : f32
    %eq3A_271 = vector.broadcast %eq3A_270 : f32 to vector<32x128xf32>
    %eq3A_272 = arith.cmpf oeq, %log3A_245, %eq3A_271 : vector<32x128xf32>
    %jit3A_273 = arith.constant 31 : i32
    %broadcast_in_dim3A_274 = vector.broadcast %jit3A_273 : i32 to vector<32x128xi32>
    %select_n3A_275 = arith.select %eq3A_272, %broadcast_in_dim3A_274, %convert_element_type3A_258 : vector<32x128xi1>, vector<32x128xi32>
    %eq3A_276 = arith.constant 3.187500e+00 : f32
    %eq3A_277 = vector.broadcast %eq3A_276 : f32 to vector<32x128xf32>
    %eq3A_278 = arith.cmpf oeq, %log3A_247, %eq3A_277 : vector<32x128xf32>
    %jit3A_279 = arith.constant 31 : i32
    %broadcast_in_dim3A_280 = vector.broadcast %jit3A_279 : i32 to vector<32x128xi32>
    %select_n3A_281 = arith.select %eq3A_278, %broadcast_in_dim3A_280, %convert_element_type3A_269 : vector<32x128xi1>, vector<32x128xi32>
    %ge3A_282 = arith.constant -3.212500e+00 : f32
    %ge3A_283 = vector.broadcast %ge3A_282 : f32 to vector<32x128xf32>
    %ge3A_284 = arith.cmpf oge, %log3A_245, %ge3A_283 : vector<32x128xf32>
    %le3A_285 = arith.constant 3.187500e+00 : f32
    %le3A_286 = vector.broadcast %le3A_285 : f32 to vector<32x128xf32>
    %le3A_287 = arith.cmpf ole, %log3A_245, %le3A_286 : vector<32x128xf32>
    %and3A_288 = arith.andi %ge3A_284, %le3A_287 : vector<32x128xi1>
    %ge3A_289 = arith.constant 0 : i32
    %ge3A_290 = vector.broadcast %ge3A_289 : i32 to vector<32x128xi32>
    %ge3A_291 = arith.cmpi sge, %select_n3A_275, %ge3A_290 : vector<32x128xi32>
    %and3A_292 = arith.andi %and3A_288, %ge3A_291 : vector<32x128xi1>
    %lt3A_293 = arith.constant 32 : i32
    %lt3A_294 = vector.broadcast %lt3A_293 : i32 to vector<32x128xi32>
    %lt3A_295 = arith.cmpi slt, %select_n3A_275, %lt3A_294 : vector<32x128xi32>
    %and3A_296 = arith.andi %and3A_292, %lt3A_295 : vector<32x128xi1>
    %ge3A_297 = arith.constant -3.212500e+00 : f32
    %ge3A_298 = vector.broadcast %ge3A_297 : f32 to vector<32x128xf32>
    %ge3A_299 = arith.cmpf oge, %log3A_247, %ge3A_298 : vector<32x128xf32>
    %le3A_300 = arith.constant 3.187500e+00 : f32
    %le3A_301 = vector.broadcast %le3A_300 : f32 to vector<32x128xf32>
    %le3A_302 = arith.cmpf ole, %log3A_247, %le3A_301 : vector<32x128xf32>
    %and3A_303 = arith.andi %ge3A_299, %le3A_302 : vector<32x128xi1>
    %ge3A_304 = arith.constant 0 : i32
    %ge3A_305 = vector.broadcast %ge3A_304 : i32 to vector<32x128xi32>
    %ge3A_306 = arith.cmpi sge, %select_n3A_281, %ge3A_305 : vector<32x128xi32>
    %and3A_307 = arith.andi %and3A_303, %ge3A_306 : vector<32x128xi1>
    %lt3A_308 = arith.constant 32 : i32
    %lt3A_309 = vector.broadcast %lt3A_308 : i32 to vector<32x128xi32>
    %lt3A_310 = arith.cmpi slt, %select_n3A_281, %lt3A_309 : vector<32x128xi32>
    %and3A_311 = arith.andi %and3A_307, %lt3A_310 : vector<32x128xi1>
    %convert_element_type3A_312 = arith.extui %and3A_296 : vector<32x128xi1> to vector<32x128xi32>
    %convert_element_type3A_313 = arith.sitofp %convert_element_type3A_312 : vector<32x128xi32> to vector<32x128xf32>
    %mul3A_314 = arith.mulf %mul3A_163, %convert_element_type3A_313 : vector<32x128xf32>
    %convert_element_type3A_315 = arith.extui %and3A_311 : vector<32x128xi1> to vector<32x128xi32>
    %convert_element_type3A_316 = arith.sitofp %convert_element_type3A_315 : vector<32x128xi32> to vector<32x128xf32>
    %mul3A_317 = arith.mulf %mul3A_314, %convert_element_type3A_316 : vector<32x128xf32>
    %gt3A_318 = arith.constant 0.000000e+00 : f32
    %gt3A_319 = vector.broadcast %gt3A_318 : f32 to vector<32x128xf32>
    %gt3A_320 = arith.cmpf ogt, %mul3A_317, %gt3A_319 : vector<32x128xf32>
    %mul3A_321 = arith.constant 32 : i32
    %mul3A_322 = vector.broadcast %mul3A_321 : i32 to vector<32x128xi32>
    %mul3A_323 = arith.muli %select_n3A_275, %mul3A_322 : vector<32x128xi32>
    %add3A_324 = arith.addi %mul3A_323, %select_n3A_281 : vector<32x128xi32>
    %jit3A_325 = arith.constant 0 : i32
    %broadcast_in_dim3A_326 = vector.broadcast %jit3A_325 : i32 to vector<32x128xi32>
    %select_n3A_327 = arith.select %gt3A_320, %add3A_324, %broadcast_in_dim3A_326 : vector<32x128xi1>, vector<32x128xi32>
    %div3A_328 = arith.divf %select_n3A_162, %select_n3A_156 : vector<32x128xf32>
    %log3A_329 = math.log %div3A_328 : vector<32x128xf32>
    %div3A_330 = arith.divf %select_n3A_162, %select_n3A_150 : vector<32x128xf32>
    %log3A_331 = math.log %div3A_330 : vector<32x128xf32>
    %sub3A_332 = arith.constant -3.212500e+00 : f32
    %sub3A_333 = vector.broadcast %sub3A_332 : f32 to vector<32x128xf32>
    %sub3A_334 = arith.subf %log3A_329, %sub3A_333 : vector<32x128xf32>
    %div3A_335 = arith.constant 6.400000e+00 : f32
    %div3A_336 = vector.broadcast %div3A_335 : f32 to vector<32x128xf32>
    %div3A_337 = arith.divf %sub3A_334, %div3A_336 : vector<32x128xf32>
    %mul3A_338 = arith.constant 3.200000e+01 : f32
    %mul3A_339 = vector.broadcast %mul3A_338 : f32 to vector<32x128xf32>
    %mul3A_340 = arith.mulf %div3A_337, %mul3A_339 : vector<32x128xf32>
    %floor3A_341 = math.floor %mul3A_340 : vector<32x128xf32>
    %convert_element_type3A_342 = arith.fptosi %floor3A_341 : vector<32x128xf32> to vector<32x128xi32>
    %sub3A_343 = arith.constant -3.212500e+00 : f32
    %sub3A_344 = vector.broadcast %sub3A_343 : f32 to vector<32x128xf32>
    %sub3A_345 = arith.subf %log3A_331, %sub3A_344 : vector<32x128xf32>
    %div3A_346 = arith.constant 6.400000e+00 : f32
    %div3A_347 = vector.broadcast %div3A_346 : f32 to vector<32x128xf32>
    %div3A_348 = arith.divf %sub3A_345, %div3A_347 : vector<32x128xf32>
    %mul3A_349 = arith.constant 3.200000e+01 : f32
    %mul3A_350 = vector.broadcast %mul3A_349 : f32 to vector<32x128xf32>
    %mul3A_351 = arith.mulf %div3A_348, %mul3A_350 : vector<32x128xf32>
    %floor3A_352 = math.floor %mul3A_351 : vector<32x128xf32>
    %convert_element_type3A_353 = arith.fptosi %floor3A_352 : vector<32x128xf32> to vector<32x128xi32>
    %eq3A_354 = arith.constant 3.187500e+00 : f32
    %eq3A_355 = vector.broadcast %eq3A_354 : f32 to vector<32x128xf32>
    %eq3A_356 = arith.cmpf oeq, %log3A_329, %eq3A_355 : vector<32x128xf32>
    %jit3A_357 = arith.constant 31 : i32
    %broadcast_in_dim3A_358 = vector.broadcast %jit3A_357 : i32 to vector<32x128xi32>
    %select_n3A_359 = arith.select %eq3A_356, %broadcast_in_dim3A_358, %convert_element_type3A_342 : vector<32x128xi1>, vector<32x128xi32>
    %eq3A_360 = arith.constant 3.187500e+00 : f32
    %eq3A_361 = vector.broadcast %eq3A_360 : f32 to vector<32x128xf32>
    %eq3A_362 = arith.cmpf oeq, %log3A_331, %eq3A_361 : vector<32x128xf32>
    %jit3A_363 = arith.constant 31 : i32
    %broadcast_in_dim3A_364 = vector.broadcast %jit3A_363 : i32 to vector<32x128xi32>
    %select_n3A_365 = arith.select %eq3A_362, %broadcast_in_dim3A_364, %convert_element_type3A_353 : vector<32x128xi1>, vector<32x128xi32>
    %ge3A_366 = arith.constant -3.212500e+00 : f32
    %ge3A_367 = vector.broadcast %ge3A_366 : f32 to vector<32x128xf32>
    %ge3A_368 = arith.cmpf oge, %log3A_329, %ge3A_367 : vector<32x128xf32>
    %le3A_369 = arith.constant 3.187500e+00 : f32
    %le3A_370 = vector.broadcast %le3A_369 : f32 to vector<32x128xf32>
    %le3A_371 = arith.cmpf ole, %log3A_329, %le3A_370 : vector<32x128xf32>
    %and3A_372 = arith.andi %ge3A_368, %le3A_371 : vector<32x128xi1>
    %ge3A_373 = arith.constant 0 : i32
    %ge3A_374 = vector.broadcast %ge3A_373 : i32 to vector<32x128xi32>
    %ge3A_375 = arith.cmpi sge, %select_n3A_359, %ge3A_374 : vector<32x128xi32>
    %and3A_376 = arith.andi %and3A_372, %ge3A_375 : vector<32x128xi1>
    %lt3A_377 = arith.constant 32 : i32
    %lt3A_378 = vector.broadcast %lt3A_377 : i32 to vector<32x128xi32>
    %lt3A_379 = arith.cmpi slt, %select_n3A_359, %lt3A_378 : vector<32x128xi32>
    %and3A_380 = arith.andi %and3A_376, %lt3A_379 : vector<32x128xi1>
    %ge3A_381 = arith.constant -3.212500e+00 : f32
    %ge3A_382 = vector.broadcast %ge3A_381 : f32 to vector<32x128xf32>
    %ge3A_383 = arith.cmpf oge, %log3A_331, %ge3A_382 : vector<32x128xf32>
    %le3A_384 = arith.constant 3.187500e+00 : f32
    %le3A_385 = vector.broadcast %le3A_384 : f32 to vector<32x128xf32>
    %le3A_386 = arith.cmpf ole, %log3A_331, %le3A_385 : vector<32x128xf32>
    %and3A_387 = arith.andi %ge3A_383, %le3A_386 : vector<32x128xi1>
    %ge3A_388 = arith.constant 0 : i32
    %ge3A_389 = vector.broadcast %ge3A_388 : i32 to vector<32x128xi32>
    %ge3A_390 = arith.cmpi sge, %select_n3A_365, %ge3A_389 : vector<32x128xi32>
    %and3A_391 = arith.andi %and3A_387, %ge3A_390 : vector<32x128xi1>
    %lt3A_392 = arith.constant 32 : i32
    %lt3A_393 = vector.broadcast %lt3A_392 : i32 to vector<32x128xi32>
    %lt3A_394 = arith.cmpi slt, %select_n3A_365, %lt3A_393 : vector<32x128xi32>
    %and3A_395 = arith.andi %and3A_391, %lt3A_394 : vector<32x128xi1>
    %convert_element_type3A_396 = arith.extui %and3A_380 : vector<32x128xi1> to vector<32x128xi32>
    %convert_element_type3A_397 = arith.sitofp %convert_element_type3A_396 : vector<32x128xi32> to vector<32x128xf32>
    %mul3A_398 = arith.mulf %mul3A_163, %convert_element_type3A_397 : vector<32x128xf32>
    %convert_element_type3A_399 = arith.extui %and3A_395 : vector<32x128xi1> to vector<32x128xi32>
    %convert_element_type3A_400 = arith.sitofp %convert_element_type3A_399 : vector<32x128xi32> to vector<32x128xf32>
    %mul3A_401 = arith.mulf %mul3A_398, %convert_element_type3A_400 : vector<32x128xf32>
    %gt3A_402 = arith.constant 0.000000e+00 : f32
    %gt3A_403 = vector.broadcast %gt3A_402 : f32 to vector<32x128xf32>
    %gt3A_404 = arith.cmpf ogt, %mul3A_401, %gt3A_403 : vector<32x128xf32>
    %mul3A_405 = arith.constant 32 : i32
    %mul3A_406 = vector.broadcast %mul3A_405 : i32 to vector<32x128xi32>
    %mul3A_407 = arith.muli %select_n3A_359, %mul3A_406 : vector<32x128xi32>
    %add3A_408 = arith.addi %mul3A_407, %select_n3A_365 : vector<32x128xi32>
    %jit3A_409 = arith.constant 0 : i32
    %broadcast_in_dim3A_410 = vector.broadcast %jit3A_409 : i32 to vector<32x128xi32>
    %select_n3A_411 = arith.select %gt3A_404, %add3A_408, %broadcast_in_dim3A_410 : vector<32x128xi1>, vector<32x128xi32>
    %concatenate3A_412 = tpu.concatenate %select_n3A_243, %select_n3A_327, %select_n3A_411 in 0 : vector<32x128xi32>, vector<32x128xi32>, vector<32x128xi32> -> vector<96x128xi32>
    %swap3A = arith.constant 0 : index
    %swap3A_413 = arith.constant 0 : index
    %swap3A_414 = vector.load %arg13[%swap3A, %swap3A_413] : memref<96x128xi32, #tpu.memory_space<vmem>>, vector<96x128xi32>
    tpu.vector_store %arg13[%swap3A, %swap3A_413], %concatenate3A_412 {strides = array<i32>} : memref<96x128xi32, #tpu.memory_space<vmem>>, vector<96x128xi32>,
    %concatenate3A_415 = tpu.concatenate %mul3A_233, %mul3A_317, %mul3A_401 in 0 : vector<32x128xf32>, vector<32x128xf32>, vector<32x128xf32> -> vector<96x128xf32>
    %swap3A_416 = arith.constant 0 : index
    %swap3A_417 = arith.constant 0 : index
    %swap3A_418 = vector.load %arg14[%swap3A_416, %swap3A_417] : memref<96x128xf32, #tpu.memory_space<vmem>>, vector<96x128xf32>
    tpu.vector_store %arg14[%swap3A_416, %swap3A_417], %concatenate3A_415 {strides = array<i32>} : memref<96x128xf32, #tpu.memory_space<vmem>>, vector<96x128xf32>,
    return
  }
  func.func @transform_0(%arg0: i32) -> (i32, i32, i32, i32) {
    %mul3A = arith.constant 4 : i32
    %mul3A_0 = arith.muli %mul3A, %arg0 : i32
    %add3A = arith.constant 0 : i32
    %add3A_1 = arith.addi %mul3A_0, %add3A : i32
    %mul3A_2 = arith.constant 2 : i32
    %mul3A_3 = arith.muli %mul3A_2, %add3A_1 : i32
    %c0_i32 = arith.constant 0 : i32
    %c0_i32_4 = arith.constant 0 : i32
    %c0_i32_5 = arith.constant 0 : i32
    %c0_i32_6 = arith.constant 0 : i32
    return %c0_i32, %c0_i32_4, %mul3A_3, %c0_i32_5 : i32, i32, i32, i32
  }
  func.func @transform_1(%arg0: i32) -> (i32, i32, i32, i32) {
    %mul3A = arith.constant 4 : i32
    %mul3A_0 = arith.muli %mul3A, %arg0 : i32
    %add3A = arith.constant 1 : i32
    %add3A_1 = arith.addi %mul3A_0, %add3A : i32
    %mul3A_2 = arith.constant 2 : i32
    %mul3A_3 = arith.muli %mul3A_2, %add3A_1 : i32
    %c0_i32 = arith.constant 0 : i32
    %c0_i32_4 = arith.constant 0 : i32
    %c0_i32_5 = arith.constant 0 : i32
    %c0_i32_6 = arith.constant 0 : i32
    return %c0_i32, %c0_i32_4, %mul3A_3, %c0_i32_5 : i32, i32, i32, i32
  }
  func.func @transform_2(%arg0: i32) -> (i32, i32, i32, i32) {
    %mul3A = arith.constant 4 : i32
    %mul3A_0 = arith.muli %mul3A, %arg0 : i32
    %add3A = arith.constant 2 : i32
    %add3A_1 = arith.addi %mul3A_0, %add3A : i32
    %mul3A_2 = arith.constant 2 : i32
    %mul3A_3 = arith.muli %mul3A_2, %add3A_1 : i32
    %c0_i32 = arith.constant 0 : i32
    %c0_i32_4 = arith.constant 0 : i32
    %c0_i32_5 = arith.constant 0 : i32
    %c0_i32_6 = arith.constant 0 : i32
    return %c0_i32, %c0_i32_4, %mul3A_3, %c0_i32_5 : i32, i32, i32, i32
  }
  func.func @transform_3(%arg0: i32) -> (i32, i32, i32, i32) {
    %mul3A = arith.constant 4 : i32
    %mul3A_0 = arith.muli %mul3A, %arg0 : i32
    %add3A = arith.constant 3 : i32
    %add3A_1 = arith.addi %mul3A_0, %add3A : i32
    %mul3A_2 = arith.constant 2 : i32
    %mul3A_3 = arith.muli %mul3A_2, %add3A_1 : i32
    %c0_i32 = arith.constant 0 : i32
    %c0_i32_4 = arith.constant 0 : i32
    %c0_i32_5 = arith.constant 0 : i32
    %c0_i32_6 = arith.constant 0 : i32
    return %c0_i32, %c0_i32_4, %mul3A_3, %c0_i32_5 : i32, i32, i32, i32
  }
  func.func @transform_4(%arg0: i32) -> (i32, i32, i32, i32) {
    %mul3A = arith.constant 4 : i32
    %mul3A_0 = arith.muli %mul3A, %arg0 : i32
    %add3A = arith.constant 0 : i32
    %add3A_1 = arith.addi %mul3A_0, %add3A : i32
    %mul3A_2 = arith.constant 2 : i32
    %mul3A_3 = arith.muli %mul3A_2, %add3A_1 : i32
    %c0_i32 = arith.constant 0 : i32
    %c1_i32 = arith.constant 1 : i32
    %c0_i32_4 = arith.constant 0 : i32
    %c0_i32_5 = arith.constant 0 : i32
    return %c0_i32, %c1_i32, %mul3A_3, %c0_i32_4 : i32, i32, i32, i32
  }
  func.func @transform_5(%arg0: i32) -> (i32, i32, i32, i32) {
    %mul3A = arith.constant 4 : i32
    %mul3A_0 = arith.muli %mul3A, %arg0 : i32
    %add3A = arith.constant 1 : i32
    %add3A_1 = arith.addi %mul3A_0, %add3A : i32
    %mul3A_2 = arith.constant 2 : i32
    %mul3A_3 = arith.muli %mul3A_2, %add3A_1 : i32
    %c0_i32 = arith.constant 0 : i32
    %c1_i32 = arith.constant 1 : i32
    %c0_i32_4 = arith.constant 0 : i32
    %c0_i32_5 = arith.constant 0 : i32
    return %c0_i32, %c1_i32, %mul3A_3, %c0_i32_4 : i32, i32, i32, i32
  }
  func.func @transform_6(%arg0: i32) -> (i32, i32, i32, i32) {
    %mul3A = arith.constant 4 : i32
    %mul3A_0 = arith.muli %mul3A, %arg0 : i32
    %add3A = arith.constant 2 : i32
    %add3A_1 = arith.addi %mul3A_0, %add3A : i32
    %mul3A_2 = arith.constant 2 : i32
    %mul3A_3 = arith.muli %mul3A_2, %add3A_1 : i32
    %c0_i32 = arith.constant 0 : i32
    %c1_i32 = arith.constant 1 : i32
    %c0_i32_4 = arith.constant 0 : i32
    %c0_i32_5 = arith.constant 0 : i32
    return %c0_i32, %c1_i32, %mul3A_3, %c0_i32_4 : i32, i32, i32, i32
  }
  func.func @transform_7(%arg0: i32) -> (i32, i32, i32, i32) {
    %mul3A = arith.constant 4 : i32
    %mul3A_0 = arith.muli %mul3A, %arg0 : i32
    %add3A = arith.constant 3 : i32
    %add3A_1 = arith.addi %mul3A_0, %add3A : i32
    %mul3A_2 = arith.constant 2 : i32
    %mul3A_3 = arith.muli %mul3A_2, %add3A_1 : i32
    %c0_i32 = arith.constant 0 : i32
    %c1_i32 = arith.constant 1 : i32
    %c0_i32_4 = arith.constant 0 : i32
    %c0_i32_5 = arith.constant 0 : i32
    return %c0_i32, %c1_i32, %mul3A_3, %c0_i32_4 : i32, i32, i32, i32
  }
  func.func @transform_8(%arg0: i32) -> (i32, i32, i32, i32) {
    %mul3A = arith.constant 4 : i32
    %mul3A_0 = arith.muli %mul3A, %arg0 : i32
    %add3A = arith.constant 0 : i32
    %add3A_1 = arith.addi %mul3A_0, %add3A : i32
    %mul3A_2 = arith.constant 2 : i32
    %mul3A_3 = arith.muli %mul3A_2, %add3A_1 : i32
    %c0_i32 = arith.constant 0 : i32
    %c2_i32 = arith.constant 2 : i32
    %c0_i32_4 = arith.constant 0 : i32
    %c0_i32_5 = arith.constant 0 : i32
    return %c0_i32, %c2_i32, %mul3A_3, %c0_i32_4 : i32, i32, i32, i32
  }
  func.func @transform_9(%arg0: i32) -> (i32, i32, i32, i32) {
    %mul3A = arith.constant 4 : i32
    %mul3A_0 = arith.muli %mul3A, %arg0 : i32
    %add3A = arith.constant 1 : i32
    %add3A_1 = arith.addi %mul3A_0, %add3A : i32
    %mul3A_2 = arith.constant 2 : i32
    %mul3A_3 = arith.muli %mul3A_2, %add3A_1 : i32
    %c0_i32 = arith.constant 0 : i32
    %c2_i32 = arith.constant 2 : i32
    %c0_i32_4 = arith.constant 0 : i32
    %c0_i32_5 = arith.constant 0 : i32
    return %c0_i32, %c2_i32, %mul3A_3, %c0_i32_4 : i32, i32, i32, i32
  }
  func.func @transform_10(%arg0: i32) -> (i32, i32, i32, i32) {
    %mul3A = arith.constant 4 : i32
    %mul3A_0 = arith.muli %mul3A, %arg0 : i32
    %add3A = arith.constant 2 : i32
    %add3A_1 = arith.addi %mul3A_0, %add3A : i32
    %mul3A_2 = arith.constant 2 : i32
    %mul3A_3 = arith.muli %mul3A_2, %add3A_1 : i32
    %c0_i32 = arith.constant 0 : i32
    %c2_i32 = arith.constant 2 : i32
    %c0_i32_4 = arith.constant 0 : i32
    %c0_i32_5 = arith.constant 0 : i32
    return %c0_i32, %c2_i32, %mul3A_3, %c0_i32_4 : i32, i32, i32, i32
  }
  func.func @transform_11(%arg0: i32) -> (i32, i32, i32, i32) {
    %mul3A = arith.constant 4 : i32
    %mul3A_0 = arith.muli %mul3A, %arg0 : i32
    %add3A = arith.constant 3 : i32
    %add3A_1 = arith.addi %mul3A_0, %add3A : i32
    %mul3A_2 = arith.constant 2 : i32
    %mul3A_3 = arith.muli %mul3A_2, %add3A_1 : i32
    %c0_i32 = arith.constant 0 : i32
    %c2_i32 = arith.constant 2 : i32
    %c0_i32_4 = arith.constant 0 : i32
    %c0_i32_5 = arith.constant 0 : i32
    return %c0_i32, %c2_i32, %mul3A_3, %c0_i32_4 : i32, i32, i32, i32
  }
  func.func @transform_12(%arg0: i32) -> (i32, i32) {
    %c0_i32 = arith.constant 0 : i32
    %c0_i32_0 = arith.constant 0 : i32
    return %c0_i32, %arg0 : i32, i32
  }
  func.func @transform_13(%arg0: i32) -> (i32, i32) {
    %c0_i32 = arith.constant 0 : i32
    %c0_i32_0 = arith.constant 0 : i32
    return %c0_i32, %arg0 : i32, i32
  }
}

</mosaic_0001>

<sc_bundles>
// kernel: kernel.5.cloned.1.call-start
scs
__scs_entry_jumppad:
0x0: {  	(pc) =	sbr.rel $0x88, $3  }
0x1: {  	(tag) =	ssettag $0x0;
	lr =	simm.s32 $0x1  }
0x2: {  	[smem:$0x3F9A] =	sst lr;
	_ =	strace $0xD0000000  }
0x3: {  	_ = 	snop  }
0x4: {  	_ = 	snop  }
0x5: {  	_ = 	snop  }
0x6: {  	_ = 	snop  }
0x7: {  	_ = 	snop  }
__scs_overlays_trampoline_lowered:
0x8: {  	[smem:$0x3FA9] =	sst s0  }
0x9: {  	[smem:$0x3FAA] =	sst s1  }
0xa: {  	[smem:$0x3FAB] =	sst s2  }
0xb: {  	[smem:$0x3FAC] =	sst s3  }
0xc: {  	[smem:$0x3FAD] =	sst s4  }
0xd: {  	[smem:$0x3FAE] =	sst s5  }
0xe: {  	[smem:$0x3FAF] =	sst s6  }
0xf: {  	[smem:$0x3FB0] =	sst s7  }
0x10: {  	[smem:$0x3FB1] =	sst s8  }
0x11: {  	[smem:$0x3FB2] =	sst s9;
	s0 =	simm.s32 @!p0 $0x0  }
0x12: {  	s1 =	sld [smem:$0x3F98];
	s0 =	simm.s32 @p0 $0x1  }
0x13: {  	[smem:$0x3FB3] =	sst s0;
	s0 =	simm.s32 @!p1 $0x0  }
0x14: {  	s2 =	sld [smem:$0x3F97];
	s0 =	simm.s32 @p1 $0x1  }
0x15: {  	[smem:$0x3FB4] =	sst s0;
	s0 =	simm.s32 @!p2 $0x0  }
0x16: {  	s3 =	sld [smem:$0x3FDB];
	s0 =	simm.s32 @p2 $0x1  }
0x17: {  	s4 =	simm.s32 $0x1BF5;
	[smem:$0x3FB6] =	sst s0  }
0x18: {  	s0 =	sld [smem:$0x3F99];
	_ =	swait.ge [sflag:s4], $0x0  }
0x19: {  	s7 =	sld [smem:$0x3F9A]  }
0x1a: {  	s8 =	sadd.s32 $0xFFFFE003, lr  }
0x1b: {  	s9 =	sadd.s32 $0xFFFFFEF7, lr;
	s5 =	simm.s32 $0xFFFFFFFF;
	p2 =	slt.u32 s8, $0xFFFFF086  }
0x1c: {  	p1 =	slt.u32 s9, $0xF7A;
	s5 =	simm.s32 @!p2 $0x0  }
0x1d: {  	s5 =	simm.s32 @p1 $0x1;
	p0 =	seq.s32 s7, s2  }
0x1e: {  	s7 =	smul.u32 @!p0 $0xF7A, s2;
	p2 =	seq.s32 @!p0 s5, $0x0  }
0x1f: {  	s9 =	smul.u32 $0xF7A, s1;
	s8 =	simm.s32 @!p0 $0x1BF5;
	p2 =	por !p2, p0  }
0x20: {  	[sflag:s8] =	ssyncset.s32 @!p0 $0xFFFFF086;
	s6 =	sadd.s32 @!p0 s3, s7;
	s7 =	simm.s32 @!p0 $0x108  }
0x21: {  	s3 =	sadd.s32 s3, s9;
	s6 =	sadd.s32 @!p0 $0x88, s6;
	s7 =	simm.s32 @p2 $0x1082  }
0x22: {  	[simem:s7], [sflag:s8] =	dma.local @!p0 [hbm:s6], $0xF7A  }
0x23: {  	s9 =	sor.u32 $0xD0000000, s2;
	s6 =	simm.s32 $0x108;
	_ =	swait.ge @!p0 [sflag:s8], $0x0  }
0x24: {  	s3 =	sadd.s32 $0x88, s3;
	s6 =	simm.s32 @!p1 $0x1082;
	[sflag:s4] =	ssyncset.s32 $0xFFFFF086  }
0x25: {  	[simem:s6], [sflag:s4] =	dma.local [hbm:s3], $0xF7A  }
0x26: {  	[smem:$0x3F9A] =	sst s1;
	(tag) =	ssettag s2;
	_ =	strace s9  }
0x27: {  	s1 =	sld [smem:$0x3FAA]  }
0x28: {  	s2 =	sld [smem:$0x3FAB]  }
0x29: {  	s4 =	sld [smem:$0x3FAD]  }
0x2a: {  	p0 =	seq.s32 s5, $0x0;
	s5 =	sld [smem:$0x3FAE]  }
0x2b: {  	s6 =	sld [smem:$0x3FAF]  }
0x2c: {  	s7 =	sld [smem:$0x3FB0]  }
0x2d: {  	s3 =	simm.s32 $0x108;
	s8 =	sld [smem:$0x3FB1]  }
0x2e: {  	s3 =	simm.s32 @!p0 $0x1082;
	s9 =	sld [smem:$0x3FB2]  }
0x2f: {  	lr =	sadd.s32 s0, s3;
	s0 =	sld [smem:$0x3FA9]  }
0x30: {  	s3 =	sld [smem:$0x3FAC]  }
0x31: {  	[smem:$0x3FB5] =	sst s10  }
0x32: {  	s10 =	sld [smem:$0x3FB3];
	_ =	sdelay $0x3  }
0x33: {  	p0 =	seq.s32 s10, $0x1;
	s10 =	sld [smem:$0x3FB5];
	_ =	sdelay $0x3  }
0x34: {  	[smem:$0x3FB5] =	sst s10  }
0x35: {  	s10 =	sld [smem:$0x3FB4];
	_ =	sdelay $0x3  }
0x36: {  	p1 =	seq.s32 s10, $0x1;
	s10 =	sld [smem:$0x3FB5];
	_ =	sdelay $0x3  }
0x37: {  	[smem:$0x3FB5] =	sst s10  }
0x38: {  	s10 =	sld [smem:$0x3FB6]  }
0x39: {  	_ = 	snop;
	(pc) =	sbr.ind lr, $3  }
0x3a: {  	_ = 	snop  }
0x3b: {  	_ = 	snop  }
0x3c: {  	p2 =	seq.s32 s10, $0x1;
	s10 =	sld [smem:$0x3FB5]  }
0x3d: {  	_ =	shalt  }
0x3e: {  	_ =	shalt  }
0x3f: {  	_ =	shalt  }
0x40: {  	_ =	shalt  }
0x41: {  	_ =	shalt  }
0x42: {  	_ =	shalt  }
0x43: {  	_ =	shalt  }
0x44: {  	_ =	shalt  }
0x45: {  	_ =	shalt  }
0x46: {  	_ =	shalt  }
0x47: {  	_ =	shalt  }
0x48: {  	_ =	shalt  }
0x49: {  	_ =	shalt  }
0x4a: {  	_ =	shalt  }
0x4b: {  	_ =	shalt  }
0x4c: {  	_ =	shalt  }
0x4d: {  	_ =	shalt  }
0x4e: {  	_ =	shalt  }
0x4f: {  	_ =	shalt  }
0x50: {  	_ =	shalt  }
0x51: {  	_ =	shalt  }
0x52: {  	_ =	shalt  }
0x53: {  	_ =	shalt  }
0x54: {  	_ =	shalt  }
0x55: {  	_ =	shalt  }
0x56: {  	_ =	shalt  }
0x57: {  	_ =	shalt  }
0x58: {  	_ =	shalt  }
0x59: {  	_ =	shalt  }
0x5a: {  	_ =	shalt  }
0x5b: {  	_ =	shalt  }
0x5c: {  	_ =	shalt  }
0x5d: {  	_ =	shalt  }
0x5e: {  	_ =	shalt  }
0x5f: {  	_ =	shalt  }
0x60: {  	_ =	shalt  }
0x61: {  	_ =	shalt  }
0x62: {  	_ =	shalt  }
0x63: {  	_ =	shalt  }
0x64: {  	_ =	shalt  }
0x65: {  	_ =	shalt  }
0x66: {  	_ =	shalt  }
0x67: {  	_ =	shalt  }
0x68: {  	_ =	shalt  }
0x69: {  	_ =	shalt  }
0x6a: {  	_ =	shalt  }
0x6b: {  	_ =	shalt  }
0x6c: {  	_ =	shalt  }
0x6d: {  	_ =	shalt  }
0x6e: {  	_ =	shalt  }
0x6f: {  	_ =	shalt  }
0x70: {  	_ =	shalt  }
0x71: {  	_ =	shalt  }
0x72: {  	_ =	shalt  }
0x73: {  	_ =	shalt  }
0x74: {  	_ =	shalt  }
0x75: {  	_ =	shalt  }
0x76: {  	_ =	shalt  }
0x77: {  	_ =	shalt  }
0x78: {  	_ =	shalt  }
0x79: {  	_ =	shalt  }
0x7a: {  	_ =	shalt  }
0x7b: {  	_ =	shalt  }
0x7c: {  	_ =	shalt  }
0x7d: {  	_ =	shalt  }
0x7e: {  	_ =	shalt  }
0x7f: {  	_ =	shalt  }
0x80: {  	_ =	shalt  }
0x81: {  	_ =	shalt  }
0x82: {  	_ =	shalt  }
0x83: {  	_ =	shalt  }
0x84: {  	_ =	shalt  }
0x85: {  	_ =	shalt  }
0x86: {  	_ =	shalt  }
0x87: {  	_ =	shalt  }
.Lfunc_end0:
.L_simem_size_0:
called_computation_lowered:
.L_overlay_start_0:
0x88: {  	s2 =	sld [smem:$0x3FD9]  }
0x89: {  	s3 =	sld [smem:$0x3FFE];
	_ =	sdelay $0x1  }
0x8a: {  	s1 =	srdreg.scid  }
0x8b: {  	s0 =	sand.u32 $0x1, s1  }
0x8c: {  	s16 =	sshll.u32 s0, $0xA;
	s2 =	sadd.s32 s3, s2  }
0x8d: {  	s2 =	sadd.s32 s2, s16  }
0x8e: {  	[smem:$0x3FC1] =	sst s2  }
0x8f: {  	_ = 	snop  }
0x90: {  	(tm) =	ssettm $0x1  }
0x91: {  	s17 =	sld [smem:$0x3FFB];
	_ =	sdelay $0x3  }
0x92: {  	_ =	strace s17  }
0x93: {  	s2 =	sld [smem:$0x3FFC];
	_ =	sdelay $0x3  }
0x94: {  	_ =	strace s2  }
0x95: {  	s2 =	sld [smem:$0x3FFD];
	_ =	sdelay $0x3  }
0x96: {  	_ =	strace s2  }
0x97: {  	_ =	strace $0x8FFFFFFF  }
0x98: {  	s18 =	sld [smem:$0x3FDB];
	_ =	sdelay $0x1  }
0x99: {  	s19 =	simm.s32 $_scs_section_size  }
0x9a: {  	s4 =	simm.s32 $_size__tile_overlayer_lowered;
	s5 =	simm.s32 $_tile_overlayer_lowered  }
0x9b: {  	s22 =	simm.s32 $0x1BFF;
	s21 =	sshll.u32 s5, $0x1;
	s2 =	sadd.s32 s19, s18  }
0x9c: {  	s6 =	simm.s32 $0x0;
	s20 =	sshll.u32 s4, $0x1;
	s4 =	sadd.s32 s21, s2  }
0x9d: {  	[timem:s6], [sflag:s22] =	dma.local [hbm:s4], s20  }
0x9e: {  	_ =	swait.ge [sflag:s22], s20  }
0x9f: {  	s3 =	ssub.s32 $0x0, s20;
	[sflag:s22] =	ssyncset.done $0x0  }
0xa0: {  	[sflag:s22] =	ssyncadd.s32 s3;
	_ =	sdelay $0x1  }
0xa1: {  	s23 =	simm.s32 $0x1B8B  }
0xa2: {  	_ =	swait.ge [sflag:s23], $0x1  }
0xa3: {  	[sflag:s23] =	ssyncset.done $0x0  }
0xa4: {  	s25 =	simm.s32 $0x1B8E;
	s24 =	sld [smem:$0x3FFE];
	[sflag:s23] =	ssyncadd.s32 $0xFFFFFFFF  }
0xa5: {  	s26 =	simm.s32 $execute0_lowered;
	[smem:$0x3FD2] =	sst s25  }
0xa6: {  	s4 =	sshll.u32 s26, $0x1;
	_ =	strace $0x80000046;
	[dreg:$0x1] =	wrdreg $0xFFFFFFFF  }
0xa7: {  	s28 =	simm.s32 $_size_execute0_lowered;
	s2 =	sadd.s32 s2, s4;
	[dreg:$0x0] =	wrdreg $0x0  }
0xa8: {  	s4 =	sshll.u32 s28, $0x1;
	[dreg:$0x2] =	wrdreg s2  }
0xa9: {  	[dreg:$0x3] =	wrdreg s4  }
0xaa: {  	[dreg:$0x4] =	wrdreg $0xC0  }
0xab: {  	_ =	task [dreg:s6], $0x5FFFF  }
0xac: {  	[dreg:$0x1] =	wrdreg $0xFFFFFFFF  }
0xad: {  	[dreg:$0x0] =	wrdreg $0x60  }
0xae: {  	[dreg:$0x2] =	wrdreg s24  }
0xaf: {  	[dreg:$0x3] =	wrdreg $0x9  }
0xb0: {  	_ =	task.clear_ibuf [dreg:s6], $0x4FFFF;
	_ =	strace $0x90000046  }
0xb1: {  	s29 =	simm.s32 $0x9;
	_ =	strace $0x80000048  }
0xb2: {  	_ =	swait.ge [sflag:s29], $0x1  }
0xb3: {  	[sflag:s29] =	ssyncadd.s32 $0xFFFFFFFF  }
0xb4: {  	_ =	strace $0x90000048  }
0xb5: {  	_ =	sfence  }
0xb6: {  	s30 =	sld [smem:$0x0];
	_ =	sdelay $0x2  }
0xb7: {  	s31 =	sshll.u32 s1, $0xD;
	s1 =	sshrl.u32 s1, $0x2  }
0xb8: {  	s3 =	sand.u32 $0x4000, s31;
	s1 =	sadd.s32 s1, s30  }
0xb9: {  	s0 =	sor.u32 s3, s0;
	s1 =	sshll.u32 s1, $0x11  }
0xba: {  	s0 =	sor.u32 s1, s0  }
0xbb: {  	s0 =	sadd.s32 $0x8F2B, s0  }
0xbc: {  	[sflag:s0] =	ssyncadd.remote.s32 $0x1  }
0xbd: {  	_ =	sfence.sel $0xFFFF  }
0xbe: {  	[dreg:$0x0] =	wrdreg $0xFFFFFFFF;
	(pc) =	sbr.abs _section_cstart, $3  }
0xbf: {  	[dreg:$0x1] =	wrdreg $0xFFFFFFFF  }
0xc0: {  	_ =	task.clear_ibuf [dreg:s6], $0x2FFFF;
	_ =	strace $0x9FFFFFFF  }
0xc1: {  	(tm) =	ssettm $0x7FFFFFFF  }
tec
execute0_lowered:
.L_overlay_start_1:
0x0: {  	(tag) =	ssettag $0x1  }
0x1: {  	s1 =	stileid.u32  }
0x2: {  	p0 =	sgt.u32 s1, $0x5  }
.Ltmp0:
0x3: {  	_ = 	snop;
	(pc) =	sbr.rel @p0 .LBB2_7-.Ltmp0, $4  }
0x4: {  	_ = 	snop  }
0x5: {  	s3 =	rddreg [dreg:$0x0];
	s2 =	simm.s32 $0x0  }
0x6: {  	[smem:$0x7FF] =	sst s2  }
0x7: {  	s0 =	rddreg [dreg:$0x1];
	_ =	strace $0x80000047  }
0x8: {  	s4 =	srdreg.scid  }
0x9: {  	s4 =	sand.u32 $0x1, s4  }
0xa: {  	s5 =	smul.u32 $0x6, s4  }
0xb: {  	s7 =	sadd.s32 $0xA00, s3;
	s9 =	simm.s32 $0x4000;
	s6 =	ssub.s32 $0x2, s4  }
0xc: {  	s10 =	simm.s32 $0x0;
	s8 =	sshrl.u32 s6, $0x1;
	s5 =	sadd.s32 s1, s5  }
0xd: {  	s6 =	ssub.s32 s6, s8;
	s8 =	simm.s32 $0x2000;
	s5 =	sshll.u32 s5, $0xA  }
0xe: {  	s6 =	smax.u32 s6, $0x1;
	s31 =	sadd.s32 s5, s3;
	s5 =	sadd.s32 s7, s5  }
0xf: {  	v0 =	vimm.f32 $0.0e+00;
	s7 =	simm.s32 $0x1;
	s3 =	sadd.s32 $0x3A00, s31;
	s4 =	sadd.s32 $0x6A00, s31  }
.LBB2_2:
0x10: {  	s11 =	simm.s32 $0x0  }
0x11: {  	[tilespmem:s11], [sflag:$0x1] =	stream.linear.gather [hbm4b:s5+s11], $0x2000, $0x38;
	[tilespmem:$0x6000] =	vst v63  }
0x12: {  	_ =	swait.ge [sflag:s7], $0x2000  }
0x13: {  	[sflag:s7] =	ssyncset.done $0x0  }
0x14: {  	[sflag:s7] =	ssyncadd.s32 $0xFFFFE000  }
0x15: {  	[tilespmem:s8], [sflag:$0x1] =	stream.linear.gather [hbm4b:s3+s11], $0x2000, $0x38;
	[tilespmem:$0x6000] =	vst v63  }
0x16: {  	_ =	swait.ge [sflag:s7], $0x2000  }
0x17: {  	s12 =	sand.u32 $0x70, s11;
	s13 =	sand.u32 $0x1C00, s11;
	[sflag:s7] =	ssyncset.done $0x0  }
0x18: {  	s12 =	sor.u32 s12, s13;
	[sflag:s7] =	ssyncadd.s32 $0xFFFFE000  }
0x19: {  	[tilespmem:s12+$0x4300] =	vst v0  }
0x1a: {  	[tilespmem:s12+$0x4280] =	vst v0  }
0x1b: {  	[tilespmem:s12+$0x4180] =	vst v0  }
0x1c: {  	[tilespmem:s12+$0x4100] =	vst v0  }
0x1d: {  	s31 =	sor.u32 s11, s11;
	[tilespmem:s12+$0x4080] =	vst v0  }
0x1e: {  	s15 =	simm.s32 $0x10;
	s14 =	sor.u32 $0x380, s31;
	s13 =	simm.s32 $0x80;
	[tilespmem:s12+$0x4000] =	vst v0  }
.LBB2_3:
0x1f: {  	s16 =	sand.u32 $0x70, s15  }
0x20: {  	s17 =	sand.u32 $0x1C00, s13;
	[tilespmem:s12+$0x4200] =	vst v0;
	s18 =	smov.u32 s15;
	s19 =	sadd.s32 $0x10, s15  }
0x21: {  	p0 =	sne.s32 s15, $0x3F0;
	s12 =	sor.u32 s16, s17;
	[tilespmem:s14+$0x4000] =	vst v0  }
0x22: {  	[tilespmem:s12+$0x4300] =	vst v0  }
.Ltmp1:
0x23: {  	[tilespmem:s12+$0x4280] =	vst v0;
	(pc) =	sbr.rel @p0 .LBB2_3-.Ltmp1, $4  }
0x24: {  	[tilespmem:s12+$0x4180] =	vst v0  }
0x25: {  	[tilespmem:s12+$0x4100] =	vst v0  }
0x26: {  	s14 =	sor.u32 s13, s18;
	[tilespmem:s12+$0x4080] =	vst v0  }
0x27: {  	s13 =	sadd.s32 $0x80, s13;
	s15 =	smov.u32 s19;
	s14 =	sor.u32 $0x380, s14;
	[tilespmem:s12+$0x4000] =	vst v0  }
0x28: {  	[tilespmem:s12+$0x4200] =	vst v0  }
0x29: {  	s12 =	simm.s32 $0x0;
	[tilespmem:s14+$0x4000] =	vst v0  }
.LBB2_5:
0x2a: {  	s13 =	sand.u32 $0x70, s12;
	s14 =	sand.u32 $0x1C00, s11  }
0x2b: {  	s13 =	sor.u32 s13, s14  }
0x2c: {  	v1 =	vld [tilespmem:s13+$0x0];
	_ =	sdelay $0x4  }
0x2d: {  	v2 =	vshll.u32 v1, $0x3  }
0x2e: {  	v1 =	vand.u32 $0x7F, v1;
	v2 =	vand.u32 $0xFFFFFC00, v2  }
0x2f: {  	v3 =	vld [tilespmem:s13+$0x2000];
	v1 =	vor.u32 v1, v2;
	_ =	sdelay $0x4  }
0x30: {  	[tilespmem:v1+s9+$0x0] =	vst.idx.add.f32.msk $0xffff, v3  }
0x31: {  	v1 =	vld [tilespmem:s13+$0x80];
	_ =	sdelay $0x4  }
0x32: {  	v2 =	vshll.u32 v1, $0x3  }
0x33: {  	v1 =	vand.u32 $0x7F, v1;
	v2 =	vand.u32 $0xFFFFFC00, v2  }
0x34: {  	v1 =	vor.u32 v2, v1  }
0x35: {  	v2 =	vld [tilespmem:s13+$0x2080];
	v1 =	vor.u32 $0x80, v1;
	_ =	sdelay $0x4  }
0x36: {  	[tilespmem:v1+s9+$0x0] =	vst.idx.add.f32.msk $0xffff, v2  }
0x37: {  	v1 =	vld [tilespmem:s13+$0x100];
	_ =	sdelay $0x4  }
0x38: {  	v2 =	vshll.u32 v1, $0x3  }
0x39: {  	v1 =	vand.u32 $0x7F, v1;
	v2 =	vand.u32 $0xFFFFFC00, v2  }
0x3a: {  	v1 =	vor.u32 v2, v1  }
0x3b: {  	v2 =	vld [tilespmem:s13+$0x2100];
	v1 =	vor.u32 $0x100, v1;
	_ =	sdelay $0x4  }
0x3c: {  	[tilespmem:v1+s9+$0x0] =	vst.idx.add.f32.msk $0xffff, v2  }
0x3d: {  	v1 =	vld [tilespmem:s13+$0x180];
	_ =	sdelay $0x4  }
0x3e: {  	v2 =	vshll.u32 v1, $0x3  }
0x3f: {  	v1 =	vand.u32 $0x7F, v1;
	v2 =	vand.u32 $0xFFFFFC00, v2  }
0x40: {  	v1 =	vor.u32 v2, v1  }
0x41: {  	v2 =	vld [tilespmem:s13+$0x2180];
	v1 =	vor.u32 $0x180, v1;
	_ =	sdelay $0x4  }
0x42: {  	[tilespmem:v1+s9+$0x0] =	vst.idx.add.f32.msk $0xffff, v2  }
0x43: {  	v1 =	vld [tilespmem:s13+$0x200];
	_ =	sdelay $0x4  }
0x44: {  	v2 =	vshll.u32 v1, $0x3  }
0x45: {  	v1 =	vand.u32 $0x7F, v1;
	v2 =	vand.u32 $0xFFFFFC00, v2  }
0x46: {  	v1 =	vor.u32 v2, v1  }
0x47: {  	v2 =	vld [tilespmem:s13+$0x2200];
	v1 =	vor.u32 $0x200, v1;
	_ =	sdelay $0x4  }
0x48: {  	[tilespmem:v1+s9+$0x0] =	vst.idx.add.f32.msk $0xffff, v2  }
0x49: {  	v1 =	vld [tilespmem:s13+$0x280];
	_ =	sdelay $0x4  }
0x4a: {  	v2 =	vshll.u32 v1, $0x3  }
0x4b: {  	v1 =	vand.u32 $0x7F, v1;
	v2 =	vand.u32 $0xFFFFFC00, v2  }
0x4c: {  	v1 =	vor.u32 v2, v1  }
0x4d: {  	v2 =	vld [tilespmem:s13+$0x2280];
	v1 =	vor.u32 $0x280, v1;
	_ =	sdelay $0x4  }
0x4e: {  	[tilespmem:v1+s9+$0x0] =	vst.idx.add.f32.msk $0xffff, v2  }
0x4f: {  	v1 =	vld [tilespmem:s13+$0x300];
	_ =	sdelay $0x4  }
0x50: {  	v2 =	vshll.u32 v1, $0x3  }
0x51: {  	v1 =	vand.u32 $0x7F, v1;
	v2 =	vand.u32 $0xFFFFFC00, v2  }
0x52: {  	v1 =	vor.u32 v2, v1  }
0x53: {  	v2 =	vld [tilespmem:s13+$0x2300];
	v1 =	vor.u32 $0x300, v1;
	_ =	sdelay $0x3  }
0x54: {  	s31 =	sor.u32 s11, s12  }
0x55: {  	s13 =	sor.u32 $0x380, s31;
	[tilespmem:v1+s9+$0x0] =	vst.idx.add.f32.msk $0xffff, v2  }
0x56: {  	v1 =	vld [tilespmem:s13+$0x0];
	_ =	sdelay $0x4  }
0x57: {  	v2 =	vshll.u32 v1, $0x3  }
0x58: {  	v1 =	vand.u32 $0x7F, v1;
	v2 =	vand.u32 $0xFFFFFC00, v2  }
0x59: {  	v1 =	vor.u32 v2, v1  }
0x5a: {  	p0 =	sne.s32 s12, $0x3F0;
	v2 =	vld [tilespmem:s13+$0x2000];
	v1 =	vor.u32 $0x380, v1  }
.Ltmp2:
0x5b: {  	_ = 	snop;
	(pc) =	sbr.rel @p0 .LBB2_5-.Ltmp2, $2  }
0x5c: {  	_ =	sdelay $0x2  }
0x5d: {  	s11 =	sadd.s32 $0x80, s11;
	s12 =	sadd.s32 $0x10, s12;
	[tilespmem:v1+s9+$0x0] =	vst.idx.add.f32.msk $0xffff, v2  }
0x5e: {  	s10 =	sadd.s32 $0x1, s10  }
0x5f: {  	p0 =	sne.s32 s10, s6  }
.Ltmp3:
0x60: {  	_ = 	snop;
	(pc) =	sbr.rel @p0 .LBB2_2-.Ltmp3, $4  }
0x61: {  	[hbm4b:s4+s2] =	stream.linear.scatter [tilespmem:s9], [sflag:$0x1], $0x2000, $0x38;
	[tilespmem:$0x6000] =	vst v63  }
0x62: {  	_ =	swait.ge [sflag:s7], $0x2000  }
0x63: {  	[sflag:s7] =	ssyncset.done $0x0  }
0x64: {  	[sflag:s7] =	ssyncadd.s32 $0xFFFFE000  }
.LBB2_7:
0x65: {  	_ =	sfence.sel $0x180000  }
0x66: {  	[bflag:$0x0] =	sbarrier.arrive $0xFFFF  }
0x67: {  	p0 =	sne.s32 s1, $0x0;
	_ =	strace $0x90000047  }
0x68: {  	s0 =	sadd.s32 @!p0 $0x100000, s0;
	[bflag:$0x2] =	sbarrier.arrive $0xFFFF  }
0x69: {  	[sflag:s0] =	ssyncadd.tile.s32 @!p0 $0x1;
	_ =	shalt  }
.Lfunc_end2:
_tile_overlayer_lowered:
.L_overlay_start_2:
0x6a: {  	(tag) =	ssettag $0x2  }
0x6b: {  	s0 =	rddreg [dreg:$0x0];
	s2 =	stileid.u32  }
0x6c: {  	s1 =	rddreg [dreg:$0x1];
	p0 =	sne.s32 s2, $0x0  }
0x6d: {  	s3 =	rddreg [dreg:$0x2];
	[bflag:$0x3] =	sbarrier.arrive $0xFFFF;
	s2 =	simm.s32 @!p0 $0x1C01  }
0x6e: {  	[timem:s3], [sflag:s2] =	dma.local @!p0 [hbm:s0], s1  }
0x6f: {  	s0 =	simm.s32 @!p0 $0x1  }
0x70: {  	_ =	swait.ge @!p0 [sflag:s0], s1  }
0x71: {  	s1 =	ssub.s32 @!p0 $0x0, s1;
	[sflag:s0] =	ssyncset.done @!p0 $0x0  }
0x72: {  	[sflag:s0] =	ssyncadd.s32 @!p0 s1  }
0x73: {  	[bflag:$0x3] =	sbarrier.arrive $0xFFFF  }
0x74: {  	_ =	shalt  }

</sc_bundles>
